<compile_context>
chip_gen: v7x
topology: tpu7x:2x2x1
jax: 0.10.2.dev20260603
libtpu: 0.0.44.dev20260713+nightly
codegen_flags: <defaults>
</compile_context>

<pallas_src>
import functools

import jax
import jax.numpy as jnp
from jax import lax
from jax.experimental import pallas as pl
from jax.experimental.pallas import tpu as pltpu
from jax.experimental.pallas import tpu_sc as plsc

C = 32
NC, NS = 2, 16
NW = NC * NS
GBLK = 128
BLK = 256
P = 4
EPS = 1e-5
TC_BLK = 1000


def _tc_ln_body(t_ref, g_ref, b_ref, o_ref):
    x = t_ref[...]
    mean = jnp.mean(x, axis=1, keepdims=True)
    var = jnp.mean((x - mean) ** 2, axis=1, keepdims=True)
    normed = (x - mean) / jnp.sqrt(var + EPS)
    o_ref[...] = normed * g_ref[...] + b_ref[...]


def _normalize_table(table, gamma, beta):
    v = table.shape[0]
    assert v % TC_BLK == 0
    return pl.pallas_call(
        _tc_ln_body,
        grid=(v // TC_BLK,),
        in_specs=[
            pl.BlockSpec((TC_BLK, C), lambda i: (i, 0)),
            pl.BlockSpec((1, C), lambda i: (0, 0)),
            pl.BlockSpec((1, C), lambda i: (0, 0)),
        ],
        out_specs=pl.BlockSpec((TC_BLK, C), lambda i: (i, 0)),
        out_shape=jax.ShapeDtypeStruct((v, C), jnp.float32),
    )(table, gamma.reshape(1, C), beta.reshape(1, C))


def _make_sc_gather(n):
    assert n % (NW * BLK) == 0
    blocks_per_w = n // (NW * BLK)
    assert blocks_per_w >= P
    mesh = plsc.VectorSubcoreMesh(core_axis_name="c", subcore_axis_name="s")

    @functools.partial(
        pl.kernel,
        out_type=jax.ShapeDtypeStruct((n, C), jnp.float32),
        mesh=mesh,
        compiler_params=pltpu.CompilerParams(
            needs_layout_passes=False, use_tc_tiling_on_sc=False),
        scratch_types=[
            pltpu.VMEM((P, 2, GBLK), jnp.int32),
            pltpu.VMEM((P, BLK, C), jnp.float32),
        ] + [pltpu.SemaphoreType.DMA] * (3 * P),
    )
    def sc_gather(x_hbm, table_hbm, out_hbm, idx_v, rows_v, *sems):
        gsem = sems[0:P]
        isem = sems[P:2 * P]
        wsem = sems[2 * P:3 * P]
        wid = lax.axis_index("s") * NC + lax.axis_index("c")
        base = wid * (blocks_per_w * BLK)

        def launch_gathers(p):
            for h in range(2):
                pltpu.async_copy(
                    table_hbm.at[idx_v.at[p, h]],
                    rows_v.at[p, pl.ds(h * GBLK, GBLK)], gsem[p])

        def wait_gathers(p):
            for h in range(2):
                pltpu.make_async_copy(
                    table_hbm.at[idx_v.at[p, h]],
                    rows_v.at[p, pl.ds(h * GBLK, GBLK)], gsem[p]).wait()

        for p in range(2):
            for h in range(2):
                pltpu.sync_copy(
                    x_hbm.at[pl.ds(base + (p * 2 + h) * GBLK, GBLK)],
                    idx_v.at[p, h])
            launch_gathers(p)

        def body(i, carry):
            row0 = base + i * BLK
            for p in range(P):

                @pl.when(i % P == p)
                def _():
                    p2 = (p + 2) % P

                    @pl.when(i + 2 < blocks_per_w)
                    def _():
                        for h in range(2):
                            pltpu.async_copy(
                                x_hbm.at[pl.ds(row0 + 2 * BLK + h * GBLK,
                                               GBLK)],
                                idx_v.at[p2, h], isem[p2])

                    wait_gathers(p)
                    pltpu.async_copy(rows_v.at[p],
                                     out_hbm.at[pl.ds(row0, BLK)], wsem[p])

                    @pl.when(i + 2 < blocks_per_w)
                    def _():
                        @pl.when(i >= 2)
                        def _():
                            pltpu.make_async_copy(
                                rows_v.at[p2],
                                out_hbm.at[pl.ds(row0 - 2 * BLK, BLK)],
                                wsem[p2]).wait()
                        for h in range(2):
                            pltpu.make_async_copy(
                                x_hbm.at[pl.ds(row0 + 2 * BLK + h * GBLK,
                                               GBLK)],
                                idx_v.at[p2, h], isem[p2]).wait()
                        launch_gathers(p2)

            return carry

        lax.fori_loop(0, blocks_per_w, body, 0)

        for k in range(4):
            i_last = blocks_per_w - 1 - k
            pltpu.make_async_copy(
                rows_v.at[i_last % P],
                out_hbm.at[pl.ds(base + i_last * BLK, BLK)],
                wsem[i_last % P]).wait()

    return sc_gather


def kernel(x, table, gamma, beta):
    b, l = x.shape
    n = b * l
    xf = x.reshape(n).astype(jnp.int32)
    table_n = _normalize_table(table, gamma, beta)
    out = _make_sc_gather(n)(xf, table_n)
    return out.reshape(b, l, C)

# --- scband reference (transcript-rebuilt; emitter-appended) ---
"""Pipeline reference for scband-temporal-embedding-36163624632516 (READ-ONLY COPY).

The authoritative reference and input builder live on the scoring server;
editing this copy changes nothing except your own understanding.
"""

import jax, jax.numpy as jnp
import numpy as np

NUM_EMB = 100000
CHANNELS = 32

def setup_inputs(seed: int = 0) -> dict:
    key = jax.random.key(seed)
    k1, k2 = jax.random.split(key, 2)
    x = jax.random.randint(k1, (16384, 200), 0, NUM_EMB, dtype=jnp.int64 if jax.config.jax_enable_x64 else jnp.int32)
    table = jax.random.normal(k2, (NUM_EMB, CHANNELS), dtype=jnp.float32)
    gamma = jnp.ones((CHANNELS,), dtype=jnp.float32)
    beta = jnp.zeros((CHANNELS,), dtype=jnp.float32)
    return {"x": x, "table": table, "gamma": gamma, "beta": beta}

def reference(x, table, gamma, beta):
    # Embedding lookup (gather)
    emb = jnp.take(table, x, axis=0)  # [B, L, C]
    # LayerNorm over last dim, eps matches torch default 1e-5
    mean = jnp.mean(emb, axis=-1, keepdims=True)
    var = jnp.mean((emb - mean) ** 2, axis=-1, keepdims=True)
    normed = (emb - mean) / jnp.sqrt(var + 1e-5)
    return normed * gamma + beta

if __name__ == "__main__":
    import jax
    _d = setup_inputs()
    print(jax.jit(kernel)(*tuple(_d.values())))

</pallas_src>

<mosaic_0001>
#map = affine_map<(d0, d1) -> (0)>
#map1 = affine_map<(d0, d1) -> (0, 0)>
module attributes {stable_mosaic.version = 14 : i64} {
  func.func @sc_gather(%arg0: i32, %arg1: i32, %arg2: memref<3276800xi32, #tpu.memory_space<hbm>>, %arg3: memref<100000x32xf32, #tpu.memory_space<hbm>>, %arg4: memref<3276800x32xf32, #tpu.memory_space<hbm>>, %arg5: memref<4x2x128xi32, #tpu.memory_space<vmem>>, %arg6: memref<4x256x32xf32, #tpu.memory_space<vmem>>, %arg7: memref<!tpu.dma_semaphore, #tpu.memory_space<semaphore_mem>>, %arg8: memref<!tpu.dma_semaphore, #tpu.memory_space<semaphore_mem>>, %arg9: memref<!tpu.dma_semaphore, #tpu.memory_space<semaphore_mem>>, %arg10: memref<!tpu.dma_semaphore, #tpu.memory_space<semaphore_mem>>, %arg11: memref<!tpu.dma_semaphore, #tpu.memory_space<semaphore_mem>>, %arg12: memref<!tpu.dma_semaphore, #tpu.memory_space<semaphore_mem>>, %arg13: memref<!tpu.dma_semaphore, #tpu.memory_space<semaphore_mem>>, %arg14: memref<!tpu.dma_semaphore, #tpu.memory_space<semaphore_mem>>, %arg15: memref<!tpu.dma_semaphore, #tpu.memory_space<semaphore_mem>>, %arg16: memref<!tpu.dma_semaphore, #tpu.memory_space<semaphore_mem>>, %arg17: memref<!tpu.dma_semaphore, #tpu.memory_space<semaphore_mem>>, %arg18: memref<!tpu.dma_semaphore, #tpu.memory_space<semaphore_mem>>) attributes {dimension_semantics = [#tpu.dimension_semantics<core_parallel>, #tpu.dimension_semantics<subcore_parallel>], iteration_bounds = array<i64: 2, 16>, scalar_prefetch = 0 : i64, scratch_operands = 14 : i64, tpu.core_type = #tpu.core_type<sc_vector_subcore>, window_params = [{transform_indices = #map}, {transform_indices = #map1}, {transform_indices = #map1}]} {
    %mul3A = arith.constant 2 : i32
    %mul3A_0 = arith.muli %arg1, %mul3A : i32
    %add3A = arith.addi %mul3A_0, %arg0 : i32
    %mul3A_1 = arith.constant 102400 : i32
    %mul3A_2 = arith.muli %add3A, %mul3A_1 : i32
    %add3A_3 = arith.constant 0 : i32
    %add3A_4 = arith.addi %mul3A_2, %add3A_3 : i32
    %run_scoped3A = arith.constant 0 : i32
    %run_scoped3A_5 = arith.constant 0 : i32
    "tpu.region"() ({
      %run_scoped3A_133 = tpu.sem_alloc : memref<!tpu.dma_semaphore, #tpu.memory_space<semaphore_mem>>
      %dma_start3A_134 = arith.constant 0 : i32
      %dma_start3A_135 = tpu.memref_slice %arg5[%run_scoped3A, %run_scoped3A_5, %dma_start3A_134] : memref<4x2x128xi32, #tpu.memory_space<vmem>> -> memref<1x1x128xi32, #tpu.memory_space<vmem>>
      %dma_start3A_136 = tpu.memref_squeeze %dma_start3A_135 : memref<1x1x128xi32, #tpu.memory_space<vmem>> -> memref<128xi32, #tpu.memory_space<vmem>>
      %dma_start3A_137 = tpu.memref_slice %arg2[%add3A_4] : memref<3276800xi32, #tpu.memory_space<hbm>> -> memref<128xi32, #tpu.memory_space<hbm>>
      %dma_start3A_138 = arith.constant 0 : i32
      %dma_start3A_139 = tpu.memref_slice %arg5[%run_scoped3A, %run_scoped3A_5, %dma_start3A_138] : memref<4x2x128xi32, #tpu.memory_space<vmem>> -> memref<1x1x128xi32, #tpu.memory_space<vmem>>
      %dma_start3A_140 = tpu.memref_squeeze %dma_start3A_139 : memref<1x1x128xi32, #tpu.memory_space<vmem>> -> memref<128xi32, #tpu.memory_space<vmem>>
      %dma_start3A_141 = tpu.memref_slice %arg2[%add3A_4] : memref<3276800xi32, #tpu.memory_space<hbm>> -> memref<128xi32, #tpu.memory_space<hbm>>
      tpu.enqueue_dma source(%dma_start3A_141 : memref<128xi32, #tpu.memory_space<hbm>>) target(%dma_start3A_140 : memref<128xi32, #tpu.memory_space<vmem>>) target_semaphore(%run_scoped3A_133 : memref<!tpu.dma_semaphore, #tpu.memory_space<semaphore_mem>>)
      %dma_wait3A_142 = arith.constant 0 : i32
      %dma_wait3A_143 = tpu.memref_slice %arg5[%run_scoped3A, %run_scoped3A_5, %dma_wait3A_142] : memref<4x2x128xi32, #tpu.memory_space<vmem>> -> memref<1x1x128xi32, #tpu.memory_space<vmem>>
      %dma_wait3A_144 = tpu.memref_squeeze %dma_wait3A_143 : memref<1x1x128xi32, #tpu.memory_space<vmem>> -> memref<128xi32, #tpu.memory_space<vmem>>
      %dma_wait3A_145 = tpu.memref_slice %arg2[%add3A_4] : memref<3276800xi32, #tpu.memory_space<hbm>> -> memref<128xi32, #tpu.memory_space<hbm>>
      %dma_wait3A_146 = arith.constant 0 : i32
      %dma_wait3A_147 = tpu.memref_slice %arg5[%run_scoped3A, %run_scoped3A_5, %dma_wait3A_146] : memref<4x2x128xi32, #tpu.memory_space<vmem>> -> memref<1x1x128xi32, #tpu.memory_space<vmem>>
      %dma_wait3A_148 = tpu.memref_squeeze %dma_wait3A_147 : memref<1x1x128xi32, #tpu.memory_space<vmem>> -> memref<128xi32, #tpu.memory_space<vmem>>
      %dma_wait3A_149 = tpu.memref_slice %arg2[%add3A_4] : memref<3276800xi32, #tpu.memory_space<hbm>> -> memref<128xi32, #tpu.memory_space<hbm>>
      tpu.wait_dma2 semaphore(%run_scoped3A_133 : memref<!tpu.dma_semaphore, #tpu.memory_space<semaphore_mem>>) src(%dma_wait3A_149 : memref<128xi32, #tpu.memory_space<hbm>>) dst(%dma_wait3A_148 : memref<128xi32, #tpu.memory_space<vmem>>)
      tpu.yield
    }) : () -> ()
    %add3A_6 = arith.constant 128 : i32
    %add3A_7 = arith.addi %mul3A_2, %add3A_6 : i32
    %run_scoped3A_8 = arith.constant 0 : i32
    %run_scoped3A_9 = arith.constant 1 : i32
    "tpu.region"() ({
      %run_scoped3A_133 = tpu.sem_alloc : memref<!tpu.dma_semaphore, #tpu.memory_space<semaphore_mem>>
      %dma_start3A_134 = arith.constant 0 : i32
      %dma_start3A_135 = tpu.memref_slice %arg5[%run_scoped3A_8, %run_scoped3A_9, %dma_start3A_134] : memref<4x2x128xi32, #tpu.memory_space<vmem>> -> memref<1x1x128xi32, #tpu.memory_space<vmem>>
      %dma_start3A_136 = tpu.memref_squeeze %dma_start3A_135 : memref<1x1x128xi32, #tpu.memory_space<vmem>> -> memref<128xi32, #tpu.memory_space<vmem>>
      %dma_start3A_137 = tpu.memref_slice %arg2[%add3A_7] : memref<3276800xi32, #tpu.memory_space<hbm>> -> memref<128xi32, #tpu.memory_space<hbm>>
      %dma_start3A_138 = arith.constant 0 : i32
      %dma_start3A_139 = tpu.memref_slice %arg5[%run_scoped3A_8, %run_scoped3A_9, %dma_start3A_138] : memref<4x2x128xi32, #tpu.memory_space<vmem>> -> memref<1x1x128xi32, #tpu.memory_space<vmem>>
      %dma_start3A_140 = tpu.memref_squeeze %dma_start3A_139 : memref<1x1x128xi32, #tpu.memory_space<vmem>> -> memref<128xi32, #tpu.memory_space<vmem>>
      %dma_start3A_141 = tpu.memref_slice %arg2[%add3A_7] : memref<3276800xi32, #tpu.memory_space<hbm>> -> memref<128xi32, #tpu.memory_space<hbm>>
      tpu.enqueue_dma source(%dma_start3A_141 : memref<128xi32, #tpu.memory_space<hbm>>) target(%dma_start3A_140 : memref<128xi32, #tpu.memory_space<vmem>>) target_semaphore(%run_scoped3A_133 : memref<!tpu.dma_semaphore, #tpu.memory_space<semaphore_mem>>)
      %dma_wait3A_142 = arith.constant 0 : i32
      %dma_wait3A_143 = tpu.memref_slice %arg5[%run_scoped3A_8, %run_scoped3A_9, %dma_wait3A_142] : memref<4x2x128xi32, #tpu.memory_space<vmem>> -> memref<1x1x128xi32, #tpu.memory_space<vmem>>
      %dma_wait3A_144 = tpu.memref_squeeze %dma_wait3A_143 : memref<1x1x128xi32, #tpu.memory_space<vmem>> -> memref<128xi32, #tpu.memory_space<vmem>>
      %dma_wait3A_145 = tpu.memref_slice %arg2[%add3A_7] : memref<3276800xi32, #tpu.memory_space<hbm>> -> memref<128xi32, #tpu.memory_space<hbm>>
      %dma_wait3A_146 = arith.constant 0 : i32
      %dma_wait3A_147 = tpu.memref_slice %arg5[%run_scoped3A_8, %run_scoped3A_9, %dma_wait3A_146] : memref<4x2x128xi32, #tpu.memory_space<vmem>> -> memref<1x1x128xi32, #tpu.memory_space<vmem>>
      %dma_wait3A_148 = tpu.memref_squeeze %dma_wait3A_147 : memref<1x1x128xi32, #tpu.memory_space<vmem>> -> memref<128xi32, #tpu.memory_space<vmem>>
      %dma_wait3A_149 = tpu.memref_slice %arg2[%add3A_7] : memref<3276800xi32, #tpu.memory_space<hbm>> -> memref<128xi32, #tpu.memory_space<hbm>>
      tpu.wait_dma2 semaphore(%run_scoped3A_133 : memref<!tpu.dma_semaphore, #tpu.memory_space<semaphore_mem>>) src(%dma_wait3A_149 : memref<128xi32, #tpu.memory_space<hbm>>) dst(%dma_wait3A_148 : memref<128xi32, #tpu.memory_space<vmem>>)
      tpu.yield
    }) : () -> ()
    %dma_start3A = arith.constant 0 : i32
    %dma_start3A_10 = arith.constant 0 : i32
    %dma_start3A_11 = arith.constant 0 : i32
    %dma_start3A_12 = arith.constant 0 : i32
    %dma_start3A_13 = arith.constant 0 : i32
    %dma_start3A_14 = tpu.memref_slice %arg6[%dma_start3A_11, %dma_start3A_12, %dma_start3A_13] : memref<4x256x32xf32, #tpu.memory_space<vmem>> -> memref<1x128x32xf32, #tpu.memory_space<vmem>>
    %dma_start3A_15 = tpu.memref_squeeze %dma_start3A_14 : memref<1x128x32xf32, #tpu.memory_space<vmem>> -> memref<128x32xf32, #tpu.memory_space<vmem>>
    %dma_start3A_16 = arith.constant 0 : i32
    %dma_start3A_17 = tpu.memref_slice %arg5[%dma_start3A, %dma_start3A_10, %dma_start3A_16] : memref<4x2x128xi32, #tpu.memory_space<vmem>> -> memref<1x1x128xi32, #tpu.memory_space<vmem>>
    %dma_start3A_18 = tpu.memref_squeeze %dma_start3A_17 : memref<1x1x128xi32, #tpu.memory_space<vmem>> -> memref<128xi32, #tpu.memory_space<vmem>>
    %dma_start3A_19 = arith.constant 0 : i32
    %dma_start3A_20 = arith.constant 0 : i32
    %dma_start3A_21 = tpu.memref_slice %arg3[%dma_start3A_19, %dma_start3A_20] : memref<100000x32xf32, #tpu.memory_space<hbm>> -> memref<100000x32xf32, #tpu.memory_space<hbm>>
    tpu.enqueue_indirect_dma source(%dma_start3A_21 : memref<100000x32xf32, #tpu.memory_space<hbm>>) target(%dma_start3A_15 : memref<128x32xf32, #tpu.memory_space<vmem>>) offsets(%dma_start3A_18 : memref<128xi32, #tpu.memory_space<vmem>>) semaphore(%arg7 : memref<!tpu.dma_semaphore, #tpu.memory_space<semaphore_mem>>)
    %dma_start3A_22 = arith.constant 0 : i32
    %dma_start3A_23 = arith.constant 1 : i32
    %dma_start3A_24 = arith.constant 0 : i32
    %dma_start3A_25 = arith.constant 128 : i32
    %dma_start3A_26 = arith.constant 0 : i32
    %dma_start3A_27 = tpu.memref_slice %arg6[%dma_start3A_24, %dma_start3A_25, %dma_start3A_26] : memref<4x256x32xf32, #tpu.memory_space<vmem>> -> memref<1x128x32xf32, #tpu.memory_space<vmem>>
    %dma_start3A_28 = tpu.memref_squeeze %dma_start3A_27 : memref<1x128x32xf32, #tpu.memory_space<vmem>> -> memref<128x32xf32, #tpu.memory_space<vmem>>
    %dma_start3A_29 = arith.constant 0 : i32
    %dma_start3A_30 = tpu.memref_slice %arg5[%dma_start3A_22, %dma_start3A_23, %dma_start3A_29] : memref<4x2x128xi32, #tpu.memory_space<vmem>> -> memref<1x1x128xi32, #tpu.memory_space<vmem>>
    %dma_start3A_31 = tpu.memref_squeeze %dma_start3A_30 : memref<1x1x128xi32, #tpu.memory_space<vmem>> -> memref<128xi32, #tpu.memory_space<vmem>>
    %dma_start3A_32 = arith.constant 0 : i32
    %dma_start3A_33 = arith.constant 0 : i32
    %dma_start3A_34 = tpu.memref_slice %arg3[%dma_start3A_32, %dma_start3A_33] : memref<100000x32xf32, #tpu.memory_space<hbm>> -> memref<100000x32xf32, #tpu.memory_space<hbm>>
    tpu.enqueue_indirect_dma source(%dma_start3A_34 : memref<100000x32xf32, #tpu.memory_space<hbm>>) target(%dma_start3A_28 : memref<128x32xf32, #tpu.memory_space<vmem>>) offsets(%dma_start3A_31 : memref<128xi32, #tpu.memory_space<vmem>>) semaphore(%arg7 : memref<!tpu.dma_semaphore, #tpu.memory_space<semaphore_mem>>)
    %add3A_35 = arith.constant 256 : i32
    %add3A_36 = arith.addi %mul3A_2, %add3A_35 : i32
    %run_scoped3A_37 = arith.constant 1 : i32
    %run_scoped3A_38 = arith.constant 0 : i32
    "tpu.region"() ({
      %run_scoped3A_133 = tpu.sem_alloc : memref<!tpu.dma_semaphore, #tpu.memory_space<semaphore_mem>>
      %dma_start3A_134 = arith.constant 0 : i32
      %dma_start3A_135 = tpu.memref_slice %arg5[%run_scoped3A_37, %run_scoped3A_38, %dma_start3A_134] : memref<4x2x128xi32, #tpu.memory_space<vmem>> -> memref<1x1x128xi32, #tpu.memory_space<vmem>>
      %dma_start3A_136 = tpu.memref_squeeze %dma_start3A_135 : memref<1x1x128xi32, #tpu.memory_space<vmem>> -> memref<128xi32, #tpu.memory_space<vmem>>
      %dma_start3A_137 = tpu.memref_slice %arg2[%add3A_36] : memref<3276800xi32, #tpu.memory_space<hbm>> -> memref<128xi32, #tpu.memory_space<hbm>>
      %dma_start3A_138 = arith.constant 0 : i32
      %dma_start3A_139 = tpu.memref_slice %arg5[%run_scoped3A_37, %run_scoped3A_38, %dma_start3A_138] : memref<4x2x128xi32, #tpu.memory_space<vmem>> -> memref<1x1x128xi32, #tpu.memory_space<vmem>>
      %dma_start3A_140 = tpu.memref_squeeze %dma_start3A_139 : memref<1x1x128xi32, #tpu.memory_space<vmem>> -> memref<128xi32, #tpu.memory_space<vmem>>
      %dma_start3A_141 = tpu.memref_slice %arg2[%add3A_36] : memref<3276800xi32, #tpu.memory_space<hbm>> -> memref<128xi32, #tpu.memory_space<hbm>>
      tpu.enqueue_dma source(%dma_start3A_141 : memref<128xi32, #tpu.memory_space<hbm>>) target(%dma_start3A_140 : memref<128xi32, #tpu.memory_space<vmem>>) target_semaphore(%run_scoped3A_133 : memref<!tpu.dma_semaphore, #tpu.memory_space<semaphore_mem>>)
      %dma_wait3A_142 = arith.constant 0 : i32
      %dma_wait3A_143 = tpu.memref_slice %arg5[%run_scoped3A_37, %run_scoped3A_38, %dma_wait3A_142] : memref<4x2x128xi32, #tpu.memory_space<vmem>> -> memref<1x1x128xi32, #tpu.memory_space<vmem>>
      %dma_wait3A_144 = tpu.memref_squeeze %dma_wait3A_143 : memref<1x1x128xi32, #tpu.memory_space<vmem>> -> memref<128xi32, #tpu.memory_space<vmem>>
      %dma_wait3A_145 = tpu.memref_slice %arg2[%add3A_36] : memref<3276800xi32, #tpu.memory_space<hbm>> -> memref<128xi32, #tpu.memory_space<hbm>>
      %dma_wait3A_146 = arith.constant 0 : i32
      %dma_wait3A_147 = tpu.memref_slice %arg5[%run_scoped3A_37, %run_scoped3A_38, %dma_wait3A_146] : memref<4x2x128xi32, #tpu.memory_space<vmem>> -> memref<1x1x128xi32, #tpu.memory_space<vmem>>
      %dma_wait3A_148 = tpu.memref_squeeze %dma_wait3A_147 : memref<1x1x128xi32, #tpu.memory_space<vmem>> -> memref<128xi32, #tpu.memory_space<vmem>>
      %dma_wait3A_149 = tpu.memref_slice %arg2[%add3A_36] : memref<3276800xi32, #tpu.memory_space<hbm>> -> memref<128xi32, #tpu.memory_space<hbm>>
      tpu.wait_dma2 semaphore(%run_scoped3A_133 : memref<!tpu.dma_semaphore, #tpu.memory_space<semaphore_mem>>) src(%dma_wait3A_149 : memref<128xi32, #tpu.memory_space<hbm>>) dst(%dma_wait3A_148 : memref<128xi32, #tpu.memory_space<vmem>>)
      tpu.yield
    }) : () -> ()
    %add3A_39 = arith.constant 384 : i32
    %add3A_40 = arith.addi %mul3A_2, %add3A_39 : i32
    %run_scoped3A_41 = arith.constant 1 : i32
    %run_scoped3A_42 = arith.constant 1 : i32
    "tpu.region"() ({
      %run_scoped3A_133 = tpu.sem_alloc : memref<!tpu.dma_semaphore, #tpu.memory_space<semaphore_mem>>
      %dma_start3A_134 = arith.constant 0 : i32
      %dma_start3A_135 = tpu.memref_slice %arg5[%run_scoped3A_41, %run_scoped3A_42, %dma_start3A_134] : memref<4x2x128xi32, #tpu.memory_space<vmem>> -> memref<1x1x128xi32, #tpu.memory_space<vmem>>
      %dma_start3A_136 = tpu.memref_squeeze %dma_start3A_135 : memref<1x1x128xi32, #tpu.memory_space<vmem>> -> memref<128xi32, #tpu.memory_space<vmem>>
      %dma_start3A_137 = tpu.memref_slice %arg2[%add3A_40] : memref<3276800xi32, #tpu.memory_space<hbm>> -> memref<128xi32, #tpu.memory_space<hbm>>
      %dma_start3A_138 = arith.constant 0 : i32
      %dma_start3A_139 = tpu.memref_slice %arg5[%run_scoped3A_41, %run_scoped3A_42, %dma_start3A_138] : memref<4x2x128xi32, #tpu.memory_space<vmem>> -> memref<1x1x128xi32, #tpu.memory_space<vmem>>
      %dma_start3A_140 = tpu.memref_squeeze %dma_start3A_139 : memref<1x1x128xi32, #tpu.memory_space<vmem>> -> memref<128xi32, #tpu.memory_space<vmem>>
      %dma_start3A_141 = tpu.memref_slice %arg2[%add3A_40] : memref<3276800xi32, #tpu.memory_space<hbm>> -> memref<128xi32, #tpu.memory_space<hbm>>
      tpu.enqueue_dma source(%dma_start3A_141 : memref<128xi32, #tpu.memory_space<hbm>>) target(%dma_start3A_140 : memref<128xi32, #tpu.memory_space<vmem>>) target_semaphore(%run_scoped3A_133 : memref<!tpu.dma_semaphore, #tpu.memory_space<semaphore_mem>>)
      %dma_wait3A_142 = arith.constant 0 : i32
      %dma_wait3A_143 = tpu.memref_slice %arg5[%run_scoped3A_41, %run_scoped3A_42, %dma_wait3A_142] : memref<4x2x128xi32, #tpu.memory_space<vmem>> -> memref<1x1x128xi32, #tpu.memory_space<vmem>>
      %dma_wait3A_144 = tpu.memref_squeeze %dma_wait3A_143 : memref<1x1x128xi32, #tpu.memory_space<vmem>> -> memref<128xi32, #tpu.memory_space<vmem>>
      %dma_wait3A_145 = tpu.memref_slice %arg2[%add3A_40] : memref<3276800xi32, #tpu.memory_space<hbm>> -> memref<128xi32, #tpu.memory_space<hbm>>
      %dma_wait3A_146 = arith.constant 0 : i32
      %dma_wait3A_147 = tpu.memref_slice %arg5[%run_scoped3A_41, %run_scoped3A_42, %dma_wait3A_146] : memref<4x2x128xi32, #tpu.memory_space<vmem>> -> memref<1x1x128xi32, #tpu.memory_space<vmem>>
      %dma_wait3A_148 = tpu.memref_squeeze %dma_wait3A_147 : memref<1x1x128xi32, #tpu.memory_space<vmem>> -> memref<128xi32, #tpu.memory_space<vmem>>
      %dma_wait3A_149 = tpu.memref_slice %arg2[%add3A_40] : memref<3276800xi32, #tpu.memory_space<hbm>> -> memref<128xi32, #tpu.memory_space<hbm>>
      tpu.wait_dma2 semaphore(%run_scoped3A_133 : memref<!tpu.dma_semaphore, #tpu.memory_space<semaphore_mem>>) src(%dma_wait3A_149 : memref<128xi32, #tpu.memory_space<hbm>>) dst(%dma_wait3A_148 : memref<128xi32, #tpu.memory_space<vmem>>)
      tpu.yield
    }) : () -> ()
    %dma_start3A_43 = arith.constant 1 : i32
    %dma_start3A_44 = arith.constant 0 : i32
    %dma_start3A_45 = arith.constant 1 : i32
    %dma_start3A_46 = arith.constant 0 : i32
    %dma_start3A_47 = arith.constant 0 : i32
    %dma_start3A_48 = tpu.memref_slice %arg6[%dma_start3A_45, %dma_start3A_46, %dma_start3A_47] : memref<4x256x32xf32, #tpu.memory_space<vmem>> -> memref<1x128x32xf32, #tpu.memory_space<vmem>>
    %dma_start3A_49 = tpu.memref_squeeze %dma_start3A_48 : memref<1x128x32xf32, #tpu.memory_space<vmem>> -> memref<128x32xf32, #tpu.memory_space<vmem>>
    %dma_start3A_50 = arith.constant 0 : i32
    %dma_start3A_51 = tpu.memref_slice %arg5[%dma_start3A_43, %dma_start3A_44, %dma_start3A_50] : memref<4x2x128xi32, #tpu.memory_space<vmem>> -> memref<1x1x128xi32, #tpu.memory_space<vmem>>
    %dma_start3A_52 = tpu.memref_squeeze %dma_start3A_51 : memref<1x1x128xi32, #tpu.memory_space<vmem>> -> memref<128xi32, #tpu.memory_space<vmem>>
    %dma_start3A_53 = arith.constant 0 : i32
    %dma_start3A_54 = arith.constant 0 : i32
    %dma_start3A_55 = tpu.memref_slice %arg3[%dma_start3A_53, %dma_start3A_54] : memref<100000x32xf32, #tpu.memory_space<hbm>> -> memref<100000x32xf32, #tpu.memory_space<hbm>>
    tpu.enqueue_indirect_dma source(%dma_start3A_55 : memref<100000x32xf32, #tpu.memory_space<hbm>>) target(%dma_start3A_49 : memref<128x32xf32, #tpu.memory_space<vmem>>) offsets(%dma_start3A_52 : memref<128xi32, #tpu.memory_space<vmem>>) semaphore(%arg8 : memref<!tpu.dma_semaphore, #tpu.memory_space<semaphore_mem>>)
    %dma_start3A_56 = arith.constant 1 : i32
    %dma_start3A_57 = arith.constant 1 : i32
    %dma_start3A_58 = arith.constant 1 : i32
    %dma_start3A_59 = arith.constant 128 : i32
    %dma_start3A_60 = arith.constant 0 : i32
    %dma_start3A_61 = tpu.memref_slice %arg6[%dma_start3A_58, %dma_start3A_59, %dma_start3A_60] : memref<4x256x32xf32, #tpu.memory_space<vmem>> -> memref<1x128x32xf32, #tpu.memory_space<vmem>>
    %dma_start3A_62 = tpu.memref_squeeze %dma_start3A_61 : memref<1x128x32xf32, #tpu.memory_space<vmem>> -> memref<128x32xf32, #tpu.memory_space<vmem>>
    %dma_start3A_63 = arith.constant 0 : i32
    %dma_start3A_64 = tpu.memref_slice %arg5[%dma_start3A_56, %dma_start3A_57, %dma_start3A_63] : memref<4x2x128xi32, #tpu.memory_space<vmem>> -> memref<1x1x128xi32, #tpu.memory_space<vmem>>
    %dma_start3A_65 = tpu.memref_squeeze %dma_start3A_64 : memref<1x1x128xi32, #tpu.memory_space<vmem>> -> memref<128xi32, #tpu.memory_space<vmem>>
    %dma_start3A_66 = arith.constant 0 : i32
    %dma_start3A_67 = arith.constant 0 : i32
    %dma_start3A_68 = tpu.memref_slice %arg3[%dma_start3A_66, %dma_start3A_67] : memref<100000x32xf32, #tpu.memory_space<hbm>> -> memref<100000x32xf32, #tpu.memory_space<hbm>>
    tpu.enqueue_indirect_dma source(%dma_start3A_68 : memref<100000x32xf32, #tpu.memory_space<hbm>>) target(%dma_start3A_62 : memref<128x32xf32, #tpu.memory_space<vmem>>) offsets(%dma_start3A_65 : memref<128xi32, #tpu.memory_space<vmem>>) semaphore(%arg8 : memref<!tpu.dma_semaphore, #tpu.memory_space<semaphore_mem>>)
    %scan3A = arith.constant 0 : i32
    %scan3A_69 = arith.constant 0 : i32
    %scan3A_70 = arith.constant 400 : i32
    %scan3A_71 = arith.addi %scan3A_69, %scan3A_70 : i32
    %scan3A_72 = arith.constant 1 : i32
    scf.for %scan3A_133 = %scan3A_69 to %scan3A_71 step %scan3A_72  : i32 {
      %mul3A_134 = arith.constant 256 : i32
      %mul3A_135 = arith.muli %scan3A_133, %mul3A_134 : i32
      %add3A_136 = arith.addi %mul3A_2, %mul3A_135 : i32
      %jit3A = arith.constant 4 : i32
      %eq3A = arith.constant 0 : i32
      %eq3A_137 = arith.cmpi eq, %jit3A, %eq3A : i32
      %jit3A_138 = arith.constant 1 : i32
      %select_n3A = arith.select %eq3A_137, %jit3A_138, %jit3A : i32
      %rem3A = arith.remsi %scan3A_133, %select_n3A : i32
      %ne3A = arith.constant 0 : i32
      %ne3A_139 = arith.cmpi ne, %rem3A, %ne3A : i32
      %lt3A = arith.constant 0 : i32
      %lt3A_140 = arith.cmpi slt, %rem3A, %lt3A : i32
      %lt3A_141 = arith.constant 0 : i32
      %lt3A_142 = arith.cmpi slt, %select_n3A, %lt3A_141 : i32
      %ne3A_143 = arith.xori %lt3A_140, %lt3A_142 : i1
      %and3A = arith.andi %ne3A_143, %ne3A_139 : i1
      %add3A_144 = arith.addi %rem3A, %select_n3A : i32
      %select_n3A_145 = arith.select %and3A, %add3A_144, %rem3A : i32
      %eq3A_146 = arith.constant 0 : i32
      %eq3A_147 = arith.cmpi eq, %select_n3A_145, %eq3A_146 : i32
      %convert_element_type3A = arith.extui %eq3A_147 : i1 to i32
      %cond3A = arith.constant 0 : i32
      %cond3A_148 = arith.cmpi ne, %convert_element_type3A, %cond3A : i32
      scf.if %cond3A_148 {
        %add3A_212 = arith.constant 2 : i32
        %add3A_213 = arith.addi %scan3A_133, %add3A_212 : i32
        %lt3A_214 = arith.constant 400 : i32
        %lt3A_215 = arith.cmpi slt, %add3A_213, %lt3A_214 : i32
        %convert_element_type3A_216 = arith.extui %lt3A_215 : i1 to i32
        %cond3A_217 = arith.constant 0 : i32
        %cond3A_218 = arith.cmpi ne, %convert_element_type3A_216, %cond3A_217 : i32
        scf.if %cond3A_218 {
          %add3A_265 = arith.constant 512 : i32
          %add3A_266 = arith.addi %add3A_136, %add3A_265 : i32
          %add3A_267 = arith.constant 0 : i32
          %add3A_268 = arith.addi %add3A_266, %add3A_267 : i32
          %dma_start3A_269 = arith.constant 2 : i32
          %dma_start3A_270 = arith.constant 0 : i32
          %dma_start3A_271 = arith.constant 0 : i32
          %dma_start3A_272 = tpu.memref_slice %arg5[%dma_start3A_269, %dma_start3A_270, %dma_start3A_271] : memref<4x2x128xi32, #tpu.memory_space<vmem>> -> memref<1x1x128xi32, #tpu.memory_space<vmem>>
          %dma_start3A_273 = tpu.memref_squeeze %dma_start3A_272 : memref<1x1x128xi32, #tpu.memory_space<vmem>> -> memref<128xi32, #tpu.memory_space<vmem>>
          %dma_start3A_274 = tpu.memref_slice %arg2[%add3A_268] : memref<3276800xi32, #tpu.memory_space<hbm>> -> memref<128xi32, #tpu.memory_space<hbm>>
          %dma_start3A_275 = arith.constant 0 : i32
          %dma_start3A_276 = tpu.memref_slice %arg5[%dma_start3A_269, %dma_start3A_270, %dma_start3A_275] : memref<4x2x128xi32, #tpu.memory_space<vmem>> -> memref<1x1x128xi32, #tpu.memory_space<vmem>>
          %dma_start3A_277 = tpu.memref_squeeze %dma_start3A_276 : memref<1x1x128xi32, #tpu.memory_space<vmem>> -> memref<128xi32, #tpu.memory_space<vmem>>
          %dma_start3A_278 = tpu.memref_slice %arg2[%add3A_268] : memref<3276800xi32, #tpu.memory_space<hbm>> -> memref<128xi32, #tpu.memory_space<hbm>>
          tpu.enqueue_dma source(%dma_start3A_278 : memref<128xi32, #tpu.memory_space<hbm>>) target(%dma_start3A_277 : memref<128xi32, #tpu.memory_space<vmem>>) target_semaphore(%arg13 : memref<!tpu.dma_semaphore, #tpu.memory_space<semaphore_mem>>)
          %add3A_279 = arith.constant 512 : i32
          %add3A_280 = arith.addi %add3A_136, %add3A_279 : i32
          %add3A_281 = arith.constant 128 : i32
          %add3A_282 = arith.addi %add3A_280, %add3A_281 : i32
          %dma_start3A_283 = arith.constant 2 : i32
          %dma_start3A_284 = arith.constant 1 : i32
          %dma_start3A_285 = arith.constant 0 : i32
          %dma_start3A_286 = tpu.memref_slice %arg5[%dma_start3A_283, %dma_start3A_284, %dma_start3A_285] : memref<4x2x128xi32, #tpu.memory_space<vmem>> -> memref<1x1x128xi32, #tpu.memory_space<vmem>>
          %dma_start3A_287 = tpu.memref_squeeze %dma_start3A_286 : memref<1x1x128xi32, #tpu.memory_space<vmem>> -> memref<128xi32, #tpu.memory_space<vmem>>
          %dma_start3A_288 = tpu.memref_slice %arg2[%add3A_282] : memref<3276800xi32, #tpu.memory_space<hbm>> -> memref<128xi32, #tpu.memory_space<hbm>>
          %dma_start3A_289 = arith.constant 0 : i32
          %dma_start3A_290 = tpu.memref_slice %arg5[%dma_start3A_283, %dma_start3A_284, %dma_start3A_289] : memref<4x2x128xi32, #tpu.memory_space<vmem>> -> memref<1x1x128xi32, #tpu.memory_space<vmem>>
          %dma_start3A_291 = tpu.memref_squeeze %dma_start3A_290 : memref<1x1x128xi32, #tpu.memory_space<vmem>> -> memref<128xi32, #tpu.memory_space<vmem>>
          %dma_start3A_292 = tpu.memref_slice %arg2[%add3A_282] : memref<3276800xi32, #tpu.memory_space<hbm>> -> memref<128xi32, #tpu.memory_space<hbm>>
          tpu.enqueue_dma source(%dma_start3A_292 : memref<128xi32, #tpu.memory_space<hbm>>) target(%dma_start3A_291 : memref<128xi32, #tpu.memory_space<vmem>>) target_semaphore(%arg13 : memref<!tpu.dma_semaphore, #tpu.memory_space<semaphore_mem>>)
        } else {
        }
        %dma_wait3A_219 = arith.constant 0 : i32
        %dma_wait3A_220 = arith.constant 0 : i32
        %dma_wait3A_221 = arith.constant 0 : i32
        %dma_wait3A_222 = arith.constant 0 : i32
        %dma_wait3A_223 = arith.constant 0 : i32
        %dma_wait3A_224 = tpu.memref_slice %arg6[%dma_wait3A_221, %dma_wait3A_222, %dma_wait3A_223] : memref<4x256x32xf32, #tpu.memory_space<vmem>> -> memref<1x128x32xf32, #tpu.memory_space<vmem>>
        %dma_wait3A_225 = tpu.memref_squeeze %dma_wait3A_224 : memref<1x128x32xf32, #tpu.memory_space<vmem>> -> memref<128x32xf32, #tpu.memory_space<vmem>>
        %dma_wait3A_226 = arith.constant 0 : i32
        %dma_wait3A_227 = tpu.memref_slice %arg5[%dma_wait3A_219, %dma_wait3A_220, %dma_wait3A_226] : memref<4x2x128xi32, #tpu.memory_space<vmem>> -> memref<1x1x128xi32, #tpu.memory_space<vmem>>
        %dma_wait3A_228 = tpu.memref_squeeze %dma_wait3A_227 : memref<1x1x128xi32, #tpu.memory_space<vmem>> -> memref<128xi32, #tpu.memory_space<vmem>>
        %dma_wait3A_229 = arith.constant 0 : i32
        %dma_wait3A_230 = arith.constant 0 : i32
        %dma_wait3A_231 = tpu.memref_slice %arg3[%dma_wait3A_229, %dma_wait3A_230] : memref<100000x32xf32, #tpu.memory_space<hbm>> -> memref<100000x32xf32, #tpu.memory_space<hbm>>
        tpu.wait_indirect_dma semaphore(%arg7 : memref<!tpu.dma_semaphore, #tpu.memory_space<semaphore_mem>>) src(%dma_wait3A_231 : memref<100000x32xf32, #tpu.memory_space<hbm>>) dst(%dma_wait3A_225 : memref<128x32xf32, #tpu.memory_space<vmem>>)
        %dma_wait3A_232 = arith.constant 0 : i32
        %dma_wait3A_233 = arith.constant 1 : i32
        %dma_wait3A_234 = arith.constant 0 : i32
        %dma_wait3A_235 = arith.constant 128 : i32
        %dma_wait3A_236 = arith.constant 0 : i32
        %dma_wait3A_237 = tpu.memref_slice %arg6[%dma_wait3A_234, %dma_wait3A_235, %dma_wait3A_236] : memref<4x256x32xf32, #tpu.memory_space<vmem>> -> memref<1x128x32xf32, #tpu.memory_space<vmem>>
        %dma_wait3A_238 = tpu.memref_squeeze %dma_wait3A_237 : memref<1x128x32xf32, #tpu.memory_space<vmem>> -> memref<128x32xf32, #tpu.memory_space<vmem>>
        %dma_wait3A_239 = arith.constant 0 : i32
        %dma_wait3A_240 = tpu.memref_slice %arg5[%dma_wait3A_232, %dma_wait3A_233, %dma_wait3A_239] : memref<4x2x128xi32, #tpu.memory_space<vmem>> -> memref<1x1x128xi32, #tpu.memory_space<vmem>>
        %dma_wait3A_241 = tpu.memref_squeeze %dma_wait3A_240 : memref<1x1x128xi32, #tpu.memory_space<vmem>> -> memref<128xi32, #tpu.memory_space<vmem>>
        %dma_wait3A_242 = arith.constant 0 : i32
        %dma_wait3A_243 = arith.constant 0 : i32
        %dma_wait3A_244 = tpu.memref_slice %arg3[%dma_wait3A_242, %dma_wait3A_243] : memref<100000x32xf32, #tpu.memory_space<hbm>> -> memref<100000x32xf32, #tpu.memory_space<hbm>>
        tpu.wait_indirect_dma semaphore(%arg7 : memref<!tpu.dma_semaphore, #tpu.memory_space<semaphore_mem>>) src(%dma_wait3A_244 : memref<100000x32xf32, #tpu.memory_space<hbm>>) dst(%dma_wait3A_238 : memref<128x32xf32, #tpu.memory_space<vmem>>)
        %dma_start3A_245 = arith.constant 0 : i32
        %dma_start3A_246 = arith.constant 0 : i32
        %dma_start3A_247 = arith.constant 0 : i32
        %dma_start3A_248 = tpu.memref_slice %arg6[%dma_start3A_245, %dma_start3A_246, %dma_start3A_247] : memref<4x256x32xf32, #tpu.memory_space<vmem>> -> memref<1x256x32xf32, #tpu.memory_space<vmem>>
        %dma_start3A_249 = tpu.memref_squeeze %dma_start3A_248 : memref<1x256x32xf32, #tpu.memory_space<vmem>> -> memref<256x32xf32, #tpu.memory_space<vmem>>
        %dma_start3A_250 = arith.constant 0 : i32
        %dma_start3A_251 = tpu.memref_slice %arg4[%add3A_136, %dma_start3A_250] : memref<3276800x32xf32, #tpu.memory_space<hbm>> -> memref<256x32xf32, #tpu.memory_space<hbm>>
        %dma_start3A_252 = arith.constant 0 : i32
        %dma_start3A_253 = tpu.memref_slice %arg4[%add3A_136, %dma_start3A_252] : memref<3276800x32xf32, #tpu.memory_space<hbm>> -> memref<256x32xf32, #tpu.memory_space<hbm>>
        %dma_start3A_254 = arith.constant 0 : i32
        %dma_start3A_255 = arith.constant 0 : i32
        %dma_start3A_256 = tpu.memref_slice %arg6[%dma_start3A_245, %dma_start3A_254, %dma_start3A_255] : memref<4x256x32xf32, #tpu.memory_space<vmem>> -> memref<1x256x32xf32, #tpu.memory_space<vmem>>
        %dma_start3A_257 = tpu.memref_squeeze %dma_start3A_256 : memref<1x256x32xf32, #tpu.memory_space<vmem>> -> memref<256x32xf32, #tpu.memory_space<vmem>>
        tpu.enqueue_dma source(%dma_start3A_257 : memref<256x32xf32, #tpu.memory_space<vmem>>) target(%dma_start3A_253 : memref<256x32xf32, #tpu.memory_space<hbm>>) target_semaphore(%arg15 : memref<!tpu.dma_semaphore, #tpu.memory_space<semaphore_mem>>)
        %add3A_258 = arith.constant 2 : i32
        %add3A_259 = arith.addi %scan3A_133, %add3A_258 : i32
        %lt3A_260 = arith.constant 400 : i32
        %lt3A_261 = arith.cmpi slt, %add3A_259, %lt3A_260 : i32
        %convert_element_type3A_262 = arith.extui %lt3A_261 : i1 to i32
        %cond3A_263 = arith.constant 0 : i32
        %cond3A_264 = arith.cmpi ne, %convert_element_type3A_262, %cond3A_263 : i32
        scf.if %cond3A_264 {
          %ge3A = arith.constant 2 : i32
          %ge3A_265 = arith.cmpi sge, %scan3A_133, %ge3A : i32
          %convert_element_type3A_266 = arith.extui %ge3A_265 : i1 to i32
          %cond3A_267 = arith.constant 0 : i32
          %cond3A_268 = arith.cmpi ne, %convert_element_type3A_266, %cond3A_267 : i32
          scf.if %cond3A_268 {
            %sub3A = arith.constant 512 : i32
            %sub3A_323 = arith.subi %add3A_136, %sub3A : i32
            %dma_wait3A_324 = arith.constant 2 : i32
            %dma_wait3A_325 = arith.constant 0 : i32
            %dma_wait3A_326 = arith.constant 0 : i32
            %dma_wait3A_327 = tpu.memref_slice %arg6[%dma_wait3A_324, %dma_wait3A_325, %dma_wait3A_326] : memref<4x256x32xf32, #tpu.memory_space<vmem>> -> memref<1x256x32xf32, #tpu.memory_space<vmem>>
            %dma_wait3A_328 = tpu.memref_squeeze %dma_wait3A_327 : memref<1x256x32xf32, #tpu.memory_space<vmem>> -> memref<256x32xf32, #tpu.memory_space<vmem>>
            %dma_wait3A_329 = arith.constant 0 : i32
            %dma_wait3A_330 = tpu.memref_slice %arg4[%sub3A_323, %dma_wait3A_329] : memref<3276800x32xf32, #tpu.memory_space<hbm>> -> memref<256x32xf32, #tpu.memory_space<hbm>>
            %dma_wait3A_331 = arith.constant 0 : i32
            %dma_wait3A_332 = tpu.memref_slice %arg4[%sub3A_323, %dma_wait3A_331] : memref<3276800x32xf32, #tpu.memory_space<hbm>> -> memref<256x32xf32, #tpu.memory_space<hbm>>
            %dma_wait3A_333 = arith.constant 0 : i32
            %dma_wait3A_334 = arith.constant 0 : i32
            %dma_wait3A_335 = tpu.memref_slice %arg6[%dma_wait3A_324, %dma_wait3A_333, %dma_wait3A_334] : memref<4x256x32xf32, #tpu.memory_space<vmem>> -> memref<1x256x32xf32, #tpu.memory_space<vmem>>
            %dma_wait3A_336 = tpu.memref_squeeze %dma_wait3A_335 : memref<1x256x32xf32, #tpu.memory_space<vmem>> -> memref<256x32xf32, #tpu.memory_space<vmem>>
            tpu.wait_dma2 semaphore(%arg17 : memref<!tpu.dma_semaphore, #tpu.memory_space<semaphore_mem>>) src(%dma_wait3A_336 : memref<256x32xf32, #tpu.memory_space<vmem>>) dst(%dma_wait3A_332 : memref<256x32xf32, #tpu.memory_space<hbm>>)
          } else {
          }
          %add3A_269 = arith.constant 512 : i32
          %add3A_270 = arith.addi %add3A_136, %add3A_269 : i32
          %add3A_271 = arith.constant 0 : i32
          %add3A_272 = arith.addi %add3A_270, %add3A_271 : i32
          %dma_wait3A_273 = arith.constant 2 : i32
          %dma_wait3A_274 = arith.constant 0 : i32
          %dma_wait3A_275 = arith.constant 0 : i32
          %dma_wait3A_276 = tpu.memref_slice %arg5[%dma_wait3A_273, %dma_wait3A_274, %dma_wait3A_275] : memref<4x2x128xi32, #tpu.memory_space<vmem>> -> memref<1x1x128xi32, #tpu.memory_space<vmem>>
          %dma_wait3A_277 = tpu.memref_squeeze %dma_wait3A_276 : memref<1x1x128xi32, #tpu.memory_space<vmem>> -> memref<128xi32, #tpu.memory_space<vmem>>
          %dma_wait3A_278 = tpu.memref_slice %arg2[%add3A_272] : memref<3276800xi32, #tpu.memory_space<hbm>> -> memref<128xi32, #tpu.memory_space<hbm>>
          %dma_wait3A_279 = arith.constant 0 : i32
          %dma_wait3A_280 = tpu.memref_slice %arg5[%dma_wait3A_273, %dma_wait3A_274, %dma_wait3A_279] : memref<4x2x128xi32, #tpu.memory_space<vmem>> -> memref<1x1x128xi32, #tpu.memory_space<vmem>>
          %dma_wait3A_281 = tpu.memref_squeeze %dma_wait3A_280 : memref<1x1x128xi32, #tpu.memory_space<vmem>> -> memref<128xi32, #tpu.memory_space<vmem>>
          %dma_wait3A_282 = tpu.memref_slice %arg2[%add3A_272] : memref<3276800xi32, #tpu.memory_space<hbm>> -> memref<128xi32, #tpu.memory_space<hbm>>
          tpu.wait_dma2 semaphore(%arg13 : memref<!tpu.dma_semaphore, #tpu.memory_space<semaphore_mem>>) src(%dma_wait3A_282 : memref<128xi32, #tpu.memory_space<hbm>>) dst(%dma_wait3A_281 : memref<128xi32, #tpu.memory_space<vmem>>)
          %add3A_283 = arith.constant 512 : i32
          %add3A_284 = arith.addi %add3A_136, %add3A_283 : i32
          %add3A_285 = arith.constant 128 : i32
          %add3A_286 = arith.addi %add3A_284, %add3A_285 : i32
          %dma_wait3A_287 = arith.constant 2 : i32
          %dma_wait3A_288 = arith.constant 1 : i32
          %dma_wait3A_289 = arith.constant 0 : i32
          %dma_wait3A_290 = tpu.memref_slice %arg5[%dma_wait3A_287, %dma_wait3A_288, %dma_wait3A_289] : memref<4x2x128xi32, #tpu.memory_space<vmem>> -> memref<1x1x128xi32, #tpu.memory_space<vmem>>
          %dma_wait3A_291 = tpu.memref_squeeze %dma_wait3A_290 : memref<1x1x128xi32, #tpu.memory_space<vmem>> -> memref<128xi32, #tpu.memory_space<vmem>>
          %dma_wait3A_292 = tpu.memref_slice %arg2[%add3A_286] : memref<3276800xi32, #tpu.memory_space<hbm>> -> memref<128xi32, #tpu.memory_space<hbm>>
          %dma_wait3A_293 = arith.constant 0 : i32
          %dma_wait3A_294 = tpu.memref_slice %arg5[%dma_wait3A_287, %dma_wait3A_288, %dma_wait3A_293] : memref<4x2x128xi32, #tpu.memory_space<vmem>> -> memref<1x1x128xi32, #tpu.memory_space<vmem>>
          %dma_wait3A_295 = tpu.memref_squeeze %dma_wait3A_294 : memref<1x1x128xi32, #tpu.memory_space<vmem>> -> memref<128xi32, #tpu.memory_space<vmem>>
          %dma_wait3A_296 = tpu.memref_slice %arg2[%add3A_286] : memref<3276800xi32, #tpu.memory_space<hbm>> -> memref<128xi32, #tpu.memory_space<hbm>>
          tpu.wait_dma2 semaphore(%arg13 : memref<!tpu.dma_semaphore, #tpu.memory_space<semaphore_mem>>) src(%dma_wait3A_296 : memref<128xi32, #tpu.memory_space<hbm>>) dst(%dma_wait3A_295 : memref<128xi32, #tpu.memory_space<vmem>>)
          %dma_start3A_297 = arith.constant 2 : i32
          %dma_start3A_298 = arith.constant 0 : i32
          %dma_start3A_299 = arith.constant 2 : i32
          %dma_start3A_300 = arith.constant 0 : i32
          %dma_start3A_301 = arith.constant 0 : i32
          %dma_start3A_302 = tpu.memref_slice %arg6[%dma_start3A_299, %dma_start3A_300, %dma_start3A_301] : memref<4x256x32xf32, #tpu.memory_space<vmem>> -> memref<1x128x32xf32, #tpu.memory_space<vmem>>
          %dma_start3A_303 = tpu.memref_squeeze %dma_start3A_302 : memref<1x128x32xf32, #tpu.memory_space<vmem>> -> memref<128x32xf32, #tpu.memory_space<vmem>>
          %dma_start3A_304 = arith.constant 0 : i32
          %dma_start3A_305 = tpu.memref_slice %arg5[%dma_start3A_297, %dma_start3A_298, %dma_start3A_304] : memref<4x2x128xi32, #tpu.memory_space<vmem>> -> memref<1x1x128xi32, #tpu.memory_space<vmem>>
          %dma_start3A_306 = tpu.memref_squeeze %dma_start3A_305 : memref<1x1x128xi32, #tpu.memory_space<vmem>> -> memref<128xi32, #tpu.memory_space<vmem>>
          %dma_start3A_307 = arith.constant 0 : i32
          %dma_start3A_308 = arith.constant 0 : i32
          %dma_start3A_309 = tpu.memref_slice %arg3[%dma_start3A_307, %dma_start3A_308] : memref<100000x32xf32, #tpu.memory_space<hbm>> -> memref<100000x32xf32, #tpu.memory_space<hbm>>
          tpu.enqueue_indirect_dma source(%dma_start3A_309 : memref<100000x32xf32, #tpu.memory_space<hbm>>) target(%dma_start3A_303 : memref<128x32xf32, #tpu.memory_space<vmem>>) offsets(%dma_start3A_306 : memref<128xi32, #tpu.memory_space<vmem>>) semaphore(%arg9 : memref<!tpu.dma_semaphore, #tpu.memory_space<semaphore_mem>>)
          %dma_start3A_310 = arith.constant 2 : i32
          %dma_start3A_311 = arith.constant 1 : i32
          %dma_start3A_312 = arith.constant 2 : i32
          %dma_start3A_313 = arith.constant 128 : i32
          %dma_start3A_314 = arith.constant 0 : i32
          %dma_start3A_315 = tpu.memref_slice %arg6[%dma_start3A_312, %dma_start3A_313, %dma_start3A_314] : memref<4x256x32xf32, #tpu.memory_space<vmem>> -> memref<1x128x32xf32, #tpu.memory_space<vmem>>
          %dma_start3A_316 = tpu.memref_squeeze %dma_start3A_315 : memref<1x128x32xf32, #tpu.memory_space<vmem>> -> memref<128x32xf32, #tpu.memory_space<vmem>>
          %dma_start3A_317 = arith.constant 0 : i32
          %dma_start3A_318 = tpu.memref_slice %arg5[%dma_start3A_310, %dma_start3A_311, %dma_start3A_317] : memref<4x2x128xi32, #tpu.memory_space<vmem>> -> memref<1x1x128xi32, #tpu.memory_space<vmem>>
          %dma_start3A_319 = tpu.memref_squeeze %dma_start3A_318 : memref<1x1x128xi32, #tpu.memory_space<vmem>> -> memref<128xi32, #tpu.memory_space<vmem>>
          %dma_start3A_320 = arith.constant 0 : i32
          %dma_start3A_321 = arith.constant 0 : i32
          %dma_start3A_322 = tpu.memref_slice %arg3[%dma_start3A_320, %dma_start3A_321] : memref<100000x32xf32, #tpu.memory_space<hbm>> -> memref<100000x32xf32, #tpu.memory_space<hbm>>
          tpu.enqueue_indirect_dma source(%dma_start3A_322 : memref<100000x32xf32, #tpu.memory_space<hbm>>) target(%dma_start3A_316 : memref<128x32xf32, #tpu.memory_space<vmem>>) offsets(%dma_start3A_319 : memref<128xi32, #tpu.memory_space<vmem>>) semaphore(%arg9 : memref<!tpu.dma_semaphore, #tpu.memory_space<semaphore_mem>>)
        } else {
        }
      } else {
      }
      %jit3A_149 = arith.constant 4 : i32
      %eq3A_150 = arith.constant 0 : i32
      %eq3A_151 = arith.cmpi eq, %jit3A_149, %eq3A_150 : i32
      %jit3A_152 = arith.constant 1 : i32
      %select_n3A_153 = arith.select %eq3A_151, %jit3A_152, %jit3A_149 : i32
      %rem3A_154 = arith.remsi %scan3A_133, %select_n3A_153 : i32
      %ne3A_155 = arith.constant 0 : i32
      %ne3A_156 = arith.cmpi ne, %rem3A_154, %ne3A_155 : i32
      %lt3A_157 = arith.constant 0 : i32
      %lt3A_158 = arith.cmpi slt, %rem3A_154, %lt3A_157 : i32
      %lt3A_159 = arith.constant 0 : i32
      %lt3A_160 = arith.cmpi slt, %select_n3A_153, %lt3A_159 : i32
      %ne3A_161 = arith.xori %lt3A_158, %lt3A_160 : i1
      %and3A_162 = arith.andi %ne3A_161, %ne3A_156 : i1
      %add3A_163 = arith.addi %rem3A_154, %select_n3A_153 : i32
      %select_n3A_164 = arith.select %and3A_162, %add3A_163, %rem3A_154 : i32
      %eq3A_165 = arith.constant 1 : i32
      %eq3A_166 = arith.cmpi eq, %select_n3A_164, %eq3A_165 : i32
      %convert_element_type3A_167 = arith.extui %eq3A_166 : i1 to i32
      %cond3A_168 = arith.constant 0 : i32
      %cond3A_169 = arith.cmpi ne, %convert_element_type3A_167, %cond3A_168 : i32
      scf.if %cond3A_169 {
        %add3A_212 = arith.constant 2 : i32
        %add3A_213 = arith.addi %scan3A_133, %add3A_212 : i32
        %lt3A_214 = arith.constant 400 : i32
        %lt3A_215 = arith.cmpi slt, %add3A_213, %lt3A_214 : i32
        %convert_element_type3A_216 = arith.extui %lt3A_215 : i1 to i32
        %cond3A_217 = arith.constant 0 : i32
        %cond3A_218 = arith.cmpi ne, %convert_element_type3A_216, %cond3A_217 : i32
        scf.if %cond3A_218 {
          %add3A_265 = arith.constant 512 : i32
          %add3A_266 = arith.addi %add3A_136, %add3A_265 : i32
          %add3A_267 = arith.constant 0 : i32
          %add3A_268 = arith.addi %add3A_266, %add3A_267 : i32
          %dma_start3A_269 = arith.constant 3 : i32
          %dma_start3A_270 = arith.constant 0 : i32
          %dma_start3A_271 = arith.constant 0 : i32
          %dma_start3A_272 = tpu.memref_slice %arg5[%dma_start3A_269, %dma_start3A_270, %dma_start3A_271] : memref<4x2x128xi32, #tpu.memory_space<vmem>> -> memref<1x1x128xi32, #tpu.memory_space<vmem>>
          %dma_start3A_273 = tpu.memref_squeeze %dma_start3A_272 : memref<1x1x128xi32, #tpu.memory_space<vmem>> -> memref<128xi32, #tpu.memory_space<vmem>>
          %dma_start3A_274 = tpu.memref_slice %arg2[%add3A_268] : memref<3276800xi32, #tpu.memory_space<hbm>> -> memref<128xi32, #tpu.memory_space<hbm>>
          %dma_start3A_275 = arith.constant 0 : i32
          %dma_start3A_276 = tpu.memref_slice %arg5[%dma_start3A_269, %dma_start3A_270, %dma_start3A_275] : memref<4x2x128xi32, #tpu.memory_space<vmem>> -> memref<1x1x128xi32, #tpu.memory_space<vmem>>
          %dma_start3A_277 = tpu.memref_squeeze %dma_start3A_276 : memref<1x1x128xi32, #tpu.memory_space<vmem>> -> memref<128xi32, #tpu.memory_space<vmem>>
          %dma_start3A_278 = tpu.memref_slice %arg2[%add3A_268] : memref<3276800xi32, #tpu.memory_space<hbm>> -> memref<128xi32, #tpu.memory_space<hbm>>
          tpu.enqueue_dma source(%dma_start3A_278 : memref<128xi32, #tpu.memory_space<hbm>>) target(%dma_start3A_277 : memref<128xi32, #tpu.memory_space<vmem>>) target_semaphore(%arg14 : memref<!tpu.dma_semaphore, #tpu.memory_space<semaphore_mem>>)
          %add3A_279 = arith.constant 512 : i32
          %add3A_280 = arith.addi %add3A_136, %add3A_279 : i32
          %add3A_281 = arith.constant 128 : i32
          %add3A_282 = arith.addi %add3A_280, %add3A_281 : i32
          %dma_start3A_283 = arith.constant 3 : i32
          %dma_start3A_284 = arith.constant 1 : i32
          %dma_start3A_285 = arith.constant 0 : i32
          %dma_start3A_286 = tpu.memref_slice %arg5[%dma_start3A_283, %dma_start3A_284, %dma_start3A_285] : memref<4x2x128xi32, #tpu.memory_space<vmem>> -> memref<1x1x128xi32, #tpu.memory_space<vmem>>
          %dma_start3A_287 = tpu.memref_squeeze %dma_start3A_286 : memref<1x1x128xi32, #tpu.memory_space<vmem>> -> memref<128xi32, #tpu.memory_space<vmem>>
          %dma_start3A_288 = tpu.memref_slice %arg2[%add3A_282] : memref<3276800xi32, #tpu.memory_space<hbm>> -> memref<128xi32, #tpu.memory_space<hbm>>
          %dma_start3A_289 = arith.constant 0 : i32
          %dma_start3A_290 = tpu.memref_slice %arg5[%dma_start3A_283, %dma_start3A_284, %dma_start3A_289] : memref<4x2x128xi32, #tpu.memory_space<vmem>> -> memref<1x1x128xi32, #tpu.memory_space<vmem>>
          %dma_start3A_291 = tpu.memref_squeeze %dma_start3A_290 : memref<1x1x128xi32, #tpu.memory_space<vmem>> -> memref<128xi32, #tpu.memory_space<vmem>>
          %dma_start3A_292 = tpu.memref_slice %arg2[%add3A_282] : memref<3276800xi32, #tpu.memory_space<hbm>> -> memref<128xi32, #tpu.memory_space<hbm>>
          tpu.enqueue_dma source(%dma_start3A_292 : memref<128xi32, #tpu.memory_space<hbm>>) target(%dma_start3A_291 : memref<128xi32, #tpu.memory_space<vmem>>) target_semaphore(%arg14 : memref<!tpu.dma_semaphore, #tpu.memory_space<semaphore_mem>>)
        } else {
        }
        %dma_wait3A_219 = arith.constant 1 : i32
        %dma_wait3A_220 = arith.constant 0 : i32
        %dma_wait3A_221 = arith.constant 1 : i32
        %dma_wait3A_222 = arith.constant 0 : i32
        %dma_wait3A_223 = arith.constant 0 : i32
        %dma_wait3A_224 = tpu.memref_slice %arg6[%dma_wait3A_221, %dma_wait3A_222, %dma_wait3A_223] : memref<4x256x32xf32, #tpu.memory_space<vmem>> -> memref<1x128x32xf32, #tpu.memory_space<vmem>>
        %dma_wait3A_225 = tpu.memref_squeeze %dma_wait3A_224 : memref<1x128x32xf32, #tpu.memory_space<vmem>> -> memref<128x32xf32, #tpu.memory_space<vmem>>
        %dma_wait3A_226 = arith.constant 0 : i32
        %dma_wait3A_227 = tpu.memref_slice %arg5[%dma_wait3A_219, %dma_wait3A_220, %dma_wait3A_226] : memref<4x2x128xi32, #tpu.memory_space<vmem>> -> memref<1x1x128xi32, #tpu.memory_space<vmem>>
        %dma_wait3A_228 = tpu.memref_squeeze %dma_wait3A_227 : memref<1x1x128xi32, #tpu.memory_space<vmem>> -> memref<128xi32, #tpu.memory_space<vmem>>
        %dma_wait3A_229 = arith.constant 0 : i32
        %dma_wait3A_230 = arith.constant 0 : i32
        %dma_wait3A_231 = tpu.memref_slice %arg3[%dma_wait3A_229, %dma_wait3A_230] : memref<100000x32xf32, #tpu.memory_space<hbm>> -> memref<100000x32xf32, #tpu.memory_space<hbm>>
        tpu.wait_indirect_dma semaphore(%arg8 : memref<!tpu.dma_semaphore, #tpu.memory_space<semaphore_mem>>) src(%dma_wait3A_231 : memref<100000x32xf32, #tpu.memory_space<hbm>>) dst(%dma_wait3A_225 : memref<128x32xf32, #tpu.memory_space<vmem>>)
        %dma_wait3A_232 = arith.constant 1 : i32
        %dma_wait3A_233 = arith.constant 1 : i32
        %dma_wait3A_234 = arith.constant 1 : i32
        %dma_wait3A_235 = arith.constant 128 : i32
        %dma_wait3A_236 = arith.constant 0 : i32
        %dma_wait3A_237 = tpu.memref_slice %arg6[%dma_wait3A_234, %dma_wait3A_235, %dma_wait3A_236] : memref<4x256x32xf32, #tpu.memory_space<vmem>> -> memref<1x128x32xf32, #tpu.memory_space<vmem>>
        %dma_wait3A_238 = tpu.memref_squeeze %dma_wait3A_237 : memref<1x128x32xf32, #tpu.memory_space<vmem>> -> memref<128x32xf32, #tpu.memory_space<vmem>>
        %dma_wait3A_239 = arith.constant 0 : i32
        %dma_wait3A_240 = tpu.memref_slice %arg5[%dma_wait3A_232, %dma_wait3A_233, %dma_wait3A_239] : memref<4x2x128xi32, #tpu.memory_space<vmem>> -> memref<1x1x128xi32, #tpu.memory_space<vmem>>
        %dma_wait3A_241 = tpu.memref_squeeze %dma_wait3A_240 : memref<1x1x128xi32, #tpu.memory_space<vmem>> -> memref<128xi32, #tpu.memory_space<vmem>>
        %dma_wait3A_242 = arith.constant 0 : i32
        %dma_wait3A_243 = arith.constant 0 : i32
        %dma_wait3A_244 = tpu.memref_slice %arg3[%dma_wait3A_242, %dma_wait3A_243] : memref<100000x32xf32, #tpu.memory_space<hbm>> -> memref<100000x32xf32, #tpu.memory_space<hbm>>
        tpu.wait_indirect_dma semaphore(%arg8 : memref<!tpu.dma_semaphore, #tpu.memory_space<semaphore_mem>>) src(%dma_wait3A_244 : memref<100000x32xf32, #tpu.memory_space<hbm>>) dst(%dma_wait3A_238 : memref<128x32xf32, #tpu.memory_space<vmem>>)
        %dma_start3A_245 = arith.constant 1 : i32
        %dma_start3A_246 = arith.constant 0 : i32
        %dma_start3A_247 = arith.constant 0 : i32
        %dma_start3A_248 = tpu.memref_slice %arg6[%dma_start3A_245, %dma_start3A_246, %dma_start3A_247] : memref<4x256x32xf32, #tpu.memory_space<vmem>> -> memref<1x256x32xf32, #tpu.memory_space<vmem>>
        %dma_start3A_249 = tpu.memref_squeeze %dma_start3A_248 : memref<1x256x32xf32, #tpu.memory_space<vmem>> -> memref<256x32xf32, #tpu.memory_space<vmem>>
        %dma_start3A_250 = arith.constant 0 : i32
        %dma_start3A_251 = tpu.memref_slice %arg4[%add3A_136, %dma_start3A_250] : memref<3276800x32xf32, #tpu.memory_space<hbm>> -> memref<256x32xf32, #tpu.memory_space<hbm>>
        %dma_start3A_252 = arith.constant 0 : i32
        %dma_start3A_253 = tpu.memref_slice %arg4[%add3A_136, %dma_start3A_252] : memref<3276800x32xf32, #tpu.memory_space<hbm>> -> memref<256x32xf32, #tpu.memory_space<hbm>>
        %dma_start3A_254 = arith.constant 0 : i32
        %dma_start3A_255 = arith.constant 0 : i32
        %dma_start3A_256 = tpu.memref_slice %arg6[%dma_start3A_245, %dma_start3A_254, %dma_start3A_255] : memref<4x256x32xf32, #tpu.memory_space<vmem>> -> memref<1x256x32xf32, #tpu.memory_space<vmem>>
        %dma_start3A_257 = tpu.memref_squeeze %dma_start3A_256 : memref<1x256x32xf32, #tpu.memory_space<vmem>> -> memref<256x32xf32, #tpu.memory_space<vmem>>
        tpu.enqueue_dma source(%dma_start3A_257 : memref<256x32xf32, #tpu.memory_space<vmem>>) target(%dma_start3A_253 : memref<256x32xf32, #tpu.memory_space<hbm>>) target_semaphore(%arg16 : memref<!tpu.dma_semaphore, #tpu.memory_space<semaphore_mem>>)
        %add3A_258 = arith.constant 2 : i32
        %add3A_259 = arith.addi %scan3A_133, %add3A_258 : i32
        %lt3A_260 = arith.constant 400 : i32
        %lt3A_261 = arith.cmpi slt, %add3A_259, %lt3A_260 : i32
        %convert_element_type3A_262 = arith.extui %lt3A_261 : i1 to i32
        %cond3A_263 = arith.constant 0 : i32
        %cond3A_264 = arith.cmpi ne, %convert_element_type3A_262, %cond3A_263 : i32
        scf.if %cond3A_264 {
          %ge3A = arith.constant 2 : i32
          %ge3A_265 = arith.cmpi sge, %scan3A_133, %ge3A : i32
          %convert_element_type3A_266 = arith.extui %ge3A_265 : i1 to i32
          %cond3A_267 = arith.constant 0 : i32
          %cond3A_268 = arith.cmpi ne, %convert_element_type3A_266, %cond3A_267 : i32
          scf.if %cond3A_268 {
            %sub3A = arith.constant 512 : i32
            %sub3A_323 = arith.subi %add3A_136, %sub3A : i32
            %dma_wait3A_324 = arith.constant 3 : i32
            %dma_wait3A_325 = arith.constant 0 : i32
            %dma_wait3A_326 = arith.constant 0 : i32
            %dma_wait3A_327 = tpu.memref_slice %arg6[%dma_wait3A_324, %dma_wait3A_325, %dma_wait3A_326] : memref<4x256x32xf32, #tpu.memory_space<vmem>> -> memref<1x256x32xf32, #tpu.memory_space<vmem>>
            %dma_wait3A_328 = tpu.memref_squeeze %dma_wait3A_327 : memref<1x256x32xf32, #tpu.memory_space<vmem>> -> memref<256x32xf32, #tpu.memory_space<vmem>>
            %dma_wait3A_329 = arith.constant 0 : i32
            %dma_wait3A_330 = tpu.memref_slice %arg4[%sub3A_323, %dma_wait3A_329] : memref<3276800x32xf32, #tpu.memory_space<hbm>> -> memref<256x32xf32, #tpu.memory_space<hbm>>
            %dma_wait3A_331 = arith.constant 0 : i32
            %dma_wait3A_332 = tpu.memref_slice %arg4[%sub3A_323, %dma_wait3A_331] : memref<3276800x32xf32, #tpu.memory_space<hbm>> -> memref<256x32xf32, #tpu.memory_space<hbm>>
            %dma_wait3A_333 = arith.constant 0 : i32
            %dma_wait3A_334 = arith.constant 0 : i32
            %dma_wait3A_335 = tpu.memref_slice %arg6[%dma_wait3A_324, %dma_wait3A_333, %dma_wait3A_334] : memref<4x256x32xf32, #tpu.memory_space<vmem>> -> memref<1x256x32xf32, #tpu.memory_space<vmem>>
            %dma_wait3A_336 = tpu.memref_squeeze %dma_wait3A_335 : memref<1x256x32xf32, #tpu.memory_space<vmem>> -> memref<256x32xf32, #tpu.memory_space<vmem>>
            tpu.wait_dma2 semaphore(%arg18 : memref<!tpu.dma_semaphore, #tpu.memory_space<semaphore_mem>>) src(%dma_wait3A_336 : memref<256x32xf32, #tpu.memory_space<vmem>>) dst(%dma_wait3A_332 : memref<256x32xf32, #tpu.memory_space<hbm>>)
          } else {
          }
          %add3A_269 = arith.constant 512 : i32
          %add3A_270 = arith.addi %add3A_136, %add3A_269 : i32
          %add3A_271 = arith.constant 0 : i32
          %add3A_272 = arith.addi %add3A_270, %add3A_271 : i32
          %dma_wait3A_273 = arith.constant 3 : i32
          %dma_wait3A_274 = arith.constant 0 : i32
          %dma_wait3A_275 = arith.constant 0 : i32
          %dma_wait3A_276 = tpu.memref_slice %arg5[%dma_wait3A_273, %dma_wait3A_274, %dma_wait3A_275] : memref<4x2x128xi32, #tpu.memory_space<vmem>> -> memref<1x1x128xi32, #tpu.memory_space<vmem>>
          %dma_wait3A_277 = tpu.memref_squeeze %dma_wait3A_276 : memref<1x1x128xi32, #tpu.memory_space<vmem>> -> memref<128xi32, #tpu.memory_space<vmem>>
          %dma_wait3A_278 = tpu.memref_slice %arg2[%add3A_272] : memref<3276800xi32, #tpu.memory_space<hbm>> -> memref<128xi32, #tpu.memory_space<hbm>>
          %dma_wait3A_279 = arith.constant 0 : i32
          %dma_wait3A_280 = tpu.memref_slice %arg5[%dma_wait3A_273, %dma_wait3A_274, %dma_wait3A_279] : memref<4x2x128xi32, #tpu.memory_space<vmem>> -> memref<1x1x128xi32, #tpu.memory_space<vmem>>
          %dma_wait3A_281 = tpu.memref_squeeze %dma_wait3A_280 : memref<1x1x128xi32, #tpu.memory_space<vmem>> -> memref<128xi32, #tpu.memory_space<vmem>>
          %dma_wait3A_282 = tpu.memref_slice %arg2[%add3A_272] : memref<3276800xi32, #tpu.memory_space<hbm>> -> memref<128xi32, #tpu.memory_space<hbm>>
          tpu.wait_dma2 semaphore(%arg14 : memref<!tpu.dma_semaphore, #tpu.memory_space<semaphore_mem>>) src(%dma_wait3A_282 : memref<128xi32, #tpu.memory_space<hbm>>) dst(%dma_wait3A_281 : memref<128xi32, #tpu.memory_space<vmem>>)
          %add3A_283 = arith.constant 512 : i32
          %add3A_284 = arith.addi %add3A_136, %add3A_283 : i32
          %add3A_285 = arith.constant 128 : i32
          %add3A_286 = arith.addi %add3A_284, %add3A_285 : i32
          %dma_wait3A_287 = arith.constant 3 : i32
          %dma_wait3A_288 = arith.constant 1 : i32
          %dma_wait3A_289 = arith.constant 0 : i32
          %dma_wait3A_290 = tpu.memref_slice %arg5[%dma_wait3A_287, %dma_wait3A_288, %dma_wait3A_289] : memref<4x2x128xi32, #tpu.memory_space<vmem>> -> memref<1x1x128xi32, #tpu.memory_space<vmem>>
          %dma_wait3A_291 = tpu.memref_squeeze %dma_wait3A_290 : memref<1x1x128xi32, #tpu.memory_space<vmem>> -> memref<128xi32, #tpu.memory_space<vmem>>
          %dma_wait3A_292 = tpu.memref_slice %arg2[%add3A_286] : memref<3276800xi32, #tpu.memory_space<hbm>> -> memref<128xi32, #tpu.memory_space<hbm>>
          %dma_wait3A_293 = arith.constant 0 : i32
          %dma_wait3A_294 = tpu.memref_slice %arg5[%dma_wait3A_287, %dma_wait3A_288, %dma_wait3A_293] : memref<4x2x128xi32, #tpu.memory_space<vmem>> -> memref<1x1x128xi32, #tpu.memory_space<vmem>>
          %dma_wait3A_295 = tpu.memref_squeeze %dma_wait3A_294 : memref<1x1x128xi32, #tpu.memory_space<vmem>> -> memref<128xi32, #tpu.memory_space<vmem>>
          %dma_wait3A_296 = tpu.memref_slice %arg2[%add3A_286] : memref<3276800xi32, #tpu.memory_space<hbm>> -> memref<128xi32, #tpu.memory_space<hbm>>
          tpu.wait_dma2 semaphore(%arg14 : memref<!tpu.dma_semaphore, #tpu.memory_space<semaphore_mem>>) src(%dma_wait3A_296 : memref<128xi32, #tpu.memory_space<hbm>>) dst(%dma_wait3A_295 : memref<128xi32, #tpu.memory_space<vmem>>)
          %dma_start3A_297 = arith.constant 3 : i32
          %dma_start3A_298 = arith.constant 0 : i32
          %dma_start3A_299 = arith.constant 3 : i32
          %dma_start3A_300 = arith.constant 0 : i32
          %dma_start3A_301 = arith.constant 0 : i32
          %dma_start3A_302 = tpu.memref_slice %arg6[%dma_start3A_299, %dma_start3A_300, %dma_start3A_301] : memref<4x256x32xf32, #tpu.memory_space<vmem>> -> memref<1x128x32xf32, #tpu.memory_space<vmem>>
          %dma_start3A_303 = tpu.memref_squeeze %dma_start3A_302 : memref<1x128x32xf32, #tpu.memory_space<vmem>> -> memref<128x32xf32, #tpu.memory_space<vmem>>
          %dma_start3A_304 = arith.constant 0 : i32
          %dma_start3A_305 = tpu.memref_slice %arg5[%dma_start3A_297, %dma_start3A_298, %dma_start3A_304] : memref<4x2x128xi32, #tpu.memory_space<vmem>> -> memref<1x1x128xi32, #tpu.memory_space<vmem>>
          %dma_start3A_306 = tpu.memref_squeeze %dma_start3A_305 : memref<1x1x128xi32, #tpu.memory_space<vmem>> -> memref<128xi32, #tpu.memory_space<vmem>>
          %dma_start3A_307 = arith.constant 0 : i32
          %dma_start3A_308 = arith.constant 0 : i32
          %dma_start3A_309 = tpu.memref_slice %arg3[%dma_start3A_307, %dma_start3A_308] : memref<100000x32xf32, #tpu.memory_space<hbm>> -> memref<100000x32xf32, #tpu.memory_space<hbm>>
          tpu.enqueue_indirect_dma source(%dma_start3A_309 : memref<100000x32xf32, #tpu.memory_space<hbm>>) target(%dma_start3A_303 : memref<128x32xf32, #tpu.memory_space<vmem>>) offsets(%dma_start3A_306 : memref<128xi32, #tpu.memory_space<vmem>>) semaphore(%arg10 : memref<!tpu.dma_semaphore, #tpu.memory_space<semaphore_mem>>)
          %dma_start3A_310 = arith.constant 3 : i32
          %dma_start3A_311 = arith.constant 1 : i32
          %dma_start3A_312 = arith.constant 3 : i32
          %dma_start3A_313 = arith.constant 128 : i32
          %dma_start3A_314 = arith.constant 0 : i32
          %dma_start3A_315 = tpu.memref_slice %arg6[%dma_start3A_312, %dma_start3A_313, %dma_start3A_314] : memref<4x256x32xf32, #tpu.memory_space<vmem>> -> memref<1x128x32xf32, #tpu.memory_space<vmem>>
          %dma_start3A_316 = tpu.memref_squeeze %dma_start3A_315 : memref<1x128x32xf32, #tpu.memory_space<vmem>> -> memref<128x32xf32, #tpu.memory_space<vmem>>
          %dma_start3A_317 = arith.constant 0 : i32
          %dma_start3A_318 = tpu.memref_slice %arg5[%dma_start3A_310, %dma_start3A_311, %dma_start3A_317] : memref<4x2x128xi32, #tpu.memory_space<vmem>> -> memref<1x1x128xi32, #tpu.memory_space<vmem>>
          %dma_start3A_319 = tpu.memref_squeeze %dma_start3A_318 : memref<1x1x128xi32, #tpu.memory_space<vmem>> -> memref<128xi32, #tpu.memory_space<vmem>>
          %dma_start3A_320 = arith.constant 0 : i32
          %dma_start3A_321 = arith.constant 0 : i32
          %dma_start3A_322 = tpu.memref_slice %arg3[%dma_start3A_320, %dma_start3A_321] : memref<100000x32xf32, #tpu.memory_space<hbm>> -> memref<100000x32xf32, #tpu.memory_space<hbm>>
          tpu.enqueue_indirect_dma source(%dma_start3A_322 : memref<100000x32xf32, #tpu.memory_space<hbm>>) target(%dma_start3A_316 : memref<128x32xf32, #tpu.memory_space<vmem>>) offsets(%dma_start3A_319 : memref<128xi32, #tpu.memory_space<vmem>>) semaphore(%arg10 : memref<!tpu.dma_semaphore, #tpu.memory_space<semaphore_mem>>)
        } else {
        }
      } else {
      }
      %jit3A_170 = arith.constant 4 : i32
      %eq3A_171 = arith.constant 0 : i32
      %eq3A_172 = arith.cmpi eq, %jit3A_170, %eq3A_171 : i32
      %jit3A_173 = arith.constant 1 : i32
      %select_n3A_174 = arith.select %eq3A_172, %jit3A_173, %jit3A_170 : i32
      %rem3A_175 = arith.remsi %scan3A_133, %select_n3A_174 : i32
      %ne3A_176 = arith.constant 0 : i32
      %ne3A_177 = arith.cmpi ne, %rem3A_175, %ne3A_176 : i32
      %lt3A_178 = arith.constant 0 : i32
      %lt3A_179 = arith.cmpi slt, %rem3A_175, %lt3A_178 : i32
      %lt3A_180 = arith.constant 0 : i32
      %lt3A_181 = arith.cmpi slt, %select_n3A_174, %lt3A_180 : i32
      %ne3A_182 = arith.xori %lt3A_179, %lt3A_181 : i1
      %and3A_183 = arith.andi %ne3A_182, %ne3A_177 : i1
      %add3A_184 = arith.addi %rem3A_175, %select_n3A_174 : i32
      %select_n3A_185 = arith.select %and3A_183, %add3A_184, %rem3A_175 : i32
      %eq3A_186 = arith.constant 2 : i32
      %eq3A_187 = arith.cmpi eq, %select_n3A_185, %eq3A_186 : i32
      %convert_element_type3A_188 = arith.extui %eq3A_187 : i1 to i32
      %cond3A_189 = arith.constant 0 : i32
      %cond3A_190 = arith.cmpi ne, %convert_element_type3A_188, %cond3A_189 : i32
      scf.if %cond3A_190 {
        %add3A_212 = arith.constant 2 : i32
        %add3A_213 = arith.addi %scan3A_133, %add3A_212 : i32
        %lt3A_214 = arith.constant 400 : i32
        %lt3A_215 = arith.cmpi slt, %add3A_213, %lt3A_214 : i32
        %convert_element_type3A_216 = arith.extui %lt3A_215 : i1 to i32
        %cond3A_217 = arith.constant 0 : i32
        %cond3A_218 = arith.cmpi ne, %convert_element_type3A_216, %cond3A_217 : i32
        scf.if %cond3A_218 {
          %add3A_265 = arith.constant 512 : i32
          %add3A_266 = arith.addi %add3A_136, %add3A_265 : i32
          %add3A_267 = arith.constant 0 : i32
          %add3A_268 = arith.addi %add3A_266, %add3A_267 : i32
          %dma_start3A_269 = arith.constant 0 : i32
          %dma_start3A_270 = arith.constant 0 : i32
          %dma_start3A_271 = arith.constant 0 : i32
          %dma_start3A_272 = tpu.memref_slice %arg5[%dma_start3A_269, %dma_start3A_270, %dma_start3A_271] : memref<4x2x128xi32, #tpu.memory_space<vmem>> -> memref<1x1x128xi32, #tpu.memory_space<vmem>>
          %dma_start3A_273 = tpu.memref_squeeze %dma_start3A_272 : memref<1x1x128xi32, #tpu.memory_space<vmem>> -> memref<128xi32, #tpu.memory_space<vmem>>
          %dma_start3A_274 = tpu.memref_slice %arg2[%add3A_268] : memref<3276800xi32, #tpu.memory_space<hbm>> -> memref<128xi32, #tpu.memory_space<hbm>>
          %dma_start3A_275 = arith.constant 0 : i32
          %dma_start3A_276 = tpu.memref_slice %arg5[%dma_start3A_269, %dma_start3A_270, %dma_start3A_275] : memref<4x2x128xi32, #tpu.memory_space<vmem>> -> memref<1x1x128xi32, #tpu.memory_space<vmem>>
          %dma_start3A_277 = tpu.memref_squeeze %dma_start3A_276 : memref<1x1x128xi32, #tpu.memory_space<vmem>> -> memref<128xi32, #tpu.memory_space<vmem>>
          %dma_start3A_278 = tpu.memref_slice %arg2[%add3A_268] : memref<3276800xi32, #tpu.memory_space<hbm>> -> memref<128xi32, #tpu.memory_space<hbm>>
          tpu.enqueue_dma source(%dma_start3A_278 : memref<128xi32, #tpu.memory_space<hbm>>) target(%dma_start3A_277 : memref<128xi32, #tpu.memory_space<vmem>>) target_semaphore(%arg11 : memref<!tpu.dma_semaphore, #tpu.memory_space<semaphore_mem>>)
          %add3A_279 = arith.constant 512 : i32
          %add3A_280 = arith.addi %add3A_136, %add3A_279 : i32
          %add3A_281 = arith.constant 128 : i32
          %add3A_282 = arith.addi %add3A_280, %add3A_281 : i32
          %dma_start3A_283 = arith.constant 0 : i32
          %dma_start3A_284 = arith.constant 1 : i32
          %dma_start3A_285 = arith.constant 0 : i32
          %dma_start3A_286 = tpu.memref_slice %arg5[%dma_start3A_283, %dma_start3A_284, %dma_start3A_285] : memref<4x2x128xi32, #tpu.memory_space<vmem>> -> memref<1x1x128xi32, #tpu.memory_space<vmem>>
          %dma_start3A_287 = tpu.memref_squeeze %dma_start3A_286 : memref<1x1x128xi32, #tpu.memory_space<vmem>> -> memref<128xi32, #tpu.memory_space<vmem>>
          %dma_start3A_288 = tpu.memref_slice %arg2[%add3A_282] : memref<3276800xi32, #tpu.memory_space<hbm>> -> memref<128xi32, #tpu.memory_space<hbm>>
          %dma_start3A_289 = arith.constant 0 : i32
          %dma_start3A_290 = tpu.memref_slice %arg5[%dma_start3A_283, %dma_start3A_284, %dma_start3A_289] : memref<4x2x128xi32, #tpu.memory_space<vmem>> -> memref<1x1x128xi32, #tpu.memory_space<vmem>>
          %dma_start3A_291 = tpu.memref_squeeze %dma_start3A_290 : memref<1x1x128xi32, #tpu.memory_space<vmem>> -> memref<128xi32, #tpu.memory_space<vmem>>
          %dma_start3A_292 = tpu.memref_slice %arg2[%add3A_282] : memref<3276800xi32, #tpu.memory_space<hbm>> -> memref<128xi32, #tpu.memory_space<hbm>>
          tpu.enqueue_dma source(%dma_start3A_292 : memref<128xi32, #tpu.memory_space<hbm>>) target(%dma_start3A_291 : memref<128xi32, #tpu.memory_space<vmem>>) target_semaphore(%arg11 : memref<!tpu.dma_semaphore, #tpu.memory_space<semaphore_mem>>)
        } else {
        }
        %dma_wait3A_219 = arith.constant 2 : i32
        %dma_wait3A_220 = arith.constant 0 : i32
        %dma_wait3A_221 = arith.constant 2 : i32
        %dma_wait3A_222 = arith.constant 0 : i32
        %dma_wait3A_223 = arith.constant 0 : i32
        %dma_wait3A_224 = tpu.memref_slice %arg6[%dma_wait3A_221, %dma_wait3A_222, %dma_wait3A_223] : memref<4x256x32xf32, #tpu.memory_space<vmem>> -> memref<1x128x32xf32, #tpu.memory_space<vmem>>
        %dma_wait3A_225 = tpu.memref_squeeze %dma_wait3A_224 : memref<1x128x32xf32, #tpu.memory_space<vmem>> -> memref<128x32xf32, #tpu.memory_space<vmem>>
        %dma_wait3A_226 = arith.constant 0 : i32
        %dma_wait3A_227 = tpu.memref_slice %arg5[%dma_wait3A_219, %dma_wait3A_220, %dma_wait3A_226] : memref<4x2x128xi32, #tpu.memory_space<vmem>> -> memref<1x1x128xi32, #tpu.memory_space<vmem>>
        %dma_wait3A_228 = tpu.memref_squeeze %dma_wait3A_227 : memref<1x1x128xi32, #tpu.memory_space<vmem>> -> memref<128xi32, #tpu.memory_space<vmem>>
        %dma_wait3A_229 = arith.constant 0 : i32
        %dma_wait3A_230 = arith.constant 0 : i32
        %dma_wait3A_231 = tpu.memref_slice %arg3[%dma_wait3A_229, %dma_wait3A_230] : memref<100000x32xf32, #tpu.memory_space<hbm>> -> memref<100000x32xf32, #tpu.memory_space<hbm>>
        tpu.wait_indirect_dma semaphore(%arg9 : memref<!tpu.dma_semaphore, #tpu.memory_space<semaphore_mem>>) src(%dma_wait3A_231 : memref<100000x32xf32, #tpu.memory_space<hbm>>) dst(%dma_wait3A_225 : memref<128x32xf32, #tpu.memory_space<vmem>>)
        %dma_wait3A_232 = arith.constant 2 : i32
        %dma_wait3A_233 = arith.constant 1 : i32
        %dma_wait3A_234 = arith.constant 2 : i32
        %dma_wait3A_235 = arith.constant 128 : i32
        %dma_wait3A_236 = arith.constant 0 : i32
        %dma_wait3A_237 = tpu.memref_slice %arg6[%dma_wait3A_234, %dma_wait3A_235, %dma_wait3A_236] : memref<4x256x32xf32, #tpu.memory_space<vmem>> -> memref<1x128x32xf32, #tpu.memory_space<vmem>>
        %dma_wait3A_238 = tpu.memref_squeeze %dma_wait3A_237 : memref<1x128x32xf32, #tpu.memory_space<vmem>> -> memref<128x32xf32, #tpu.memory_space<vmem>>
        %dma_wait3A_239 = arith.constant 0 : i32
        %dma_wait3A_240 = tpu.memref_slice %arg5[%dma_wait3A_232, %dma_wait3A_233, %dma_wait3A_239] : memref<4x2x128xi32, #tpu.memory_space<vmem>> -> memref<1x1x128xi32, #tpu.memory_space<vmem>>
        %dma_wait3A_241 = tpu.memref_squeeze %dma_wait3A_240 : memref<1x1x128xi32, #tpu.memory_space<vmem>> -> memref<128xi32, #tpu.memory_space<vmem>>
        %dma_wait3A_242 = arith.constant 0 : i32
        %dma_wait3A_243 = arith.constant 0 : i32
        %dma_wait3A_244 = tpu.memref_slice %arg3[%dma_wait3A_242, %dma_wait3A_243] : memref<100000x32xf32, #tpu.memory_space<hbm>> -> memref<100000x32xf32, #tpu.memory_space<hbm>>
        tpu.wait_indirect_dma semaphore(%arg9 : memref<!tpu.dma_semaphore, #tpu.memory_space<semaphore_mem>>) src(%dma_wait3A_244 : memref<100000x32xf32, #tpu.memory_space<hbm>>) dst(%dma_wait3A_238 : memref<128x32xf32, #tpu.memory_space<vmem>>)
        %dma_start3A_245 = arith.constant 2 : i32
        %dma_start3A_246 = arith.constant 0 : i32
        %dma_start3A_247 = arith.constant 0 : i32
        %dma_start3A_248 = tpu.memref_slice %arg6[%dma_start3A_245, %dma_start3A_246, %dma_start3A_247] : memref<4x256x32xf32, #tpu.memory_space<vmem>> -> memref<1x256x32xf32, #tpu.memory_space<vmem>>
        %dma_start3A_249 = tpu.memref_squeeze %dma_start3A_248 : memref<1x256x32xf32, #tpu.memory_space<vmem>> -> memref<256x32xf32, #tpu.memory_space<vmem>>
        %dma_start3A_250 = arith.constant 0 : i32
        %dma_start3A_251 = tpu.memref_slice %arg4[%add3A_136, %dma_start3A_250] : memref<3276800x32xf32, #tpu.memory_space<hbm>> -> memref<256x32xf32, #tpu.memory_space<hbm>>
        %dma_start3A_252 = arith.constant 0 : i32
        %dma_start3A_253 = tpu.memref_slice %arg4[%add3A_136, %dma_start3A_252] : memref<3276800x32xf32, #tpu.memory_space<hbm>> -> memref<256x32xf32, #tpu.memory_space<hbm>>
        %dma_start3A_254 = arith.constant 0 : i32
        %dma_start3A_255 = arith.constant 0 : i32
        %dma_start3A_256 = tpu.memref_slice %arg6[%dma_start3A_245, %dma_start3A_254, %dma_start3A_255] : memref<4x256x32xf32, #tpu.memory_space<vmem>> -> memref<1x256x32xf32, #tpu.memory_space<vmem>>
        %dma_start3A_257 = tpu.memref_squeeze %dma_start3A_256 : memref<1x256x32xf32, #tpu.memory_space<vmem>> -> memref<256x32xf32, #tpu.memory_space<vmem>>
        tpu.enqueue_dma source(%dma_start3A_257 : memref<256x32xf32, #tpu.memory_space<vmem>>) target(%dma_start3A_253 : memref<256x32xf32, #tpu.memory_space<hbm>>) target_semaphore(%arg17 : memref<!tpu.dma_semaphore, #tpu.memory_space<semaphore_mem>>)
        %add3A_258 = arith.constant 2 : i32
        %add3A_259 = arith.addi %scan3A_133, %add3A_258 : i32
        %lt3A_260 = arith.constant 400 : i32
        %lt3A_261 = arith.cmpi slt, %add3A_259, %lt3A_260 : i32
        %convert_element_type3A_262 = arith.extui %lt3A_261 : i1 to i32
        %cond3A_263 = arith.constant 0 : i32
        %cond3A_264 = arith.cmpi ne, %convert_element_type3A_262, %cond3A_263 : i32
        scf.if %cond3A_264 {
          %ge3A = arith.constant 2 : i32
          %ge3A_265 = arith.cmpi sge, %scan3A_133, %ge3A : i32
          %convert_element_type3A_266 = arith.extui %ge3A_265 : i1 to i32
          %cond3A_267 = arith.constant 0 : i32
          %cond3A_268 = arith.cmpi ne, %convert_element_type3A_266, %cond3A_267 : i32
          scf.if %cond3A_268 {
            %sub3A = arith.constant 512 : i32
            %sub3A_323 = arith.subi %add3A_136, %sub3A : i32
            %dma_wait3A_324 = arith.constant 0 : i32
            %dma_wait3A_325 = arith.constant 0 : i32
            %dma_wait3A_326 = arith.constant 0 : i32
            %dma_wait3A_327 = tpu.memref_slice %arg6[%dma_wait3A_324, %dma_wait3A_325, %dma_wait3A_326] : memref<4x256x32xf32, #tpu.memory_space<vmem>> -> memref<1x256x32xf32, #tpu.memory_space<vmem>>
            %dma_wait3A_328 = tpu.memref_squeeze %dma_wait3A_327 : memref<1x256x32xf32, #tpu.memory_space<vmem>> -> memref<256x32xf32, #tpu.memory_space<vmem>>
            %dma_wait3A_329 = arith.constant 0 : i32
            %dma_wait3A_330 = tpu.memref_slice %arg4[%sub3A_323, %dma_wait3A_329] : memref<3276800x32xf32, #tpu.memory_space<hbm>> -> memref<256x32xf32, #tpu.memory_space<hbm>>
            %dma_wait3A_331 = arith.constant 0 : i32
            %dma_wait3A_332 = tpu.memref_slice %arg4[%sub3A_323, %dma_wait3A_331] : memref<3276800x32xf32, #tpu.memory_space<hbm>> -> memref<256x32xf32, #tpu.memory_space<hbm>>
            %dma_wait3A_333 = arith.constant 0 : i32
            %dma_wait3A_334 = arith.constant 0 : i32
            %dma_wait3A_335 = tpu.memref_slice %arg6[%dma_wait3A_324, %dma_wait3A_333, %dma_wait3A_334] : memref<4x256x32xf32, #tpu.memory_space<vmem>> -> memref<1x256x32xf32, #tpu.memory_space<vmem>>
            %dma_wait3A_336 = tpu.memref_squeeze %dma_wait3A_335 : memref<1x256x32xf32, #tpu.memory_space<vmem>> -> memref<256x32xf32, #tpu.memory_space<vmem>>
            tpu.wait_dma2 semaphore(%arg15 : memref<!tpu.dma_semaphore, #tpu.memory_space<semaphore_mem>>) src(%dma_wait3A_336 : memref<256x32xf32, #tpu.memory_space<vmem>>) dst(%dma_wait3A_332 : memref<256x32xf32, #tpu.memory_space<hbm>>)
          } else {
          }
          %add3A_269 = arith.constant 512 : i32
          %add3A_270 = arith.addi %add3A_136, %add3A_269 : i32
          %add3A_271 = arith.constant 0 : i32
          %add3A_272 = arith.addi %add3A_270, %add3A_271 : i32
          %dma_wait3A_273 = arith.constant 0 : i32
          %dma_wait3A_274 = arith.constant 0 : i32
          %dma_wait3A_275 = arith.constant 0 : i32
          %dma_wait3A_276 = tpu.memref_slice %arg5[%dma_wait3A_273, %dma_wait3A_274, %dma_wait3A_275] : memref<4x2x128xi32, #tpu.memory_space<vmem>> -> memref<1x1x128xi32, #tpu.memory_space<vmem>>
          %dma_wait3A_277 = tpu.memref_squeeze %dma_wait3A_276 : memref<1x1x128xi32, #tpu.memory_space<vmem>> -> memref<128xi32, #tpu.memory_space<vmem>>
          %dma_wait3A_278 = tpu.memref_slice %arg2[%add3A_272] : memref<3276800xi32, #tpu.memory_space<hbm>> -> memref<128xi32, #tpu.memory_space<hbm>>
          %dma_wait3A_279 = arith.constant 0 : i32
          %dma_wait3A_280 = tpu.memref_slice %arg5[%dma_wait3A_273, %dma_wait3A_274, %dma_wait3A_279] : memref<4x2x128xi32, #tpu.memory_space<vmem>> -> memref<1x1x128xi32, #tpu.memory_space<vmem>>
          %dma_wait3A_281 = tpu.memref_squeeze %dma_wait3A_280 : memref<1x1x128xi32, #tpu.memory_space<vmem>> -> memref<128xi32, #tpu.memory_space<vmem>>
          %dma_wait3A_282 = tpu.memref_slice %arg2[%add3A_272] : memref<3276800xi32, #tpu.memory_space<hbm>> -> memref<128xi32, #tpu.memory_space<hbm>>
          tpu.wait_dma2 semaphore(%arg11 : memref<!tpu.dma_semaphore, #tpu.memory_space<semaphore_mem>>) src(%dma_wait3A_282 : memref<128xi32, #tpu.memory_space<hbm>>) dst(%dma_wait3A_281 : memref<128xi32, #tpu.memory_space<vmem>>)
          %add3A_283 = arith.constant 512 : i32
          %add3A_284 = arith.addi %add3A_136, %add3A_283 : i32
          %add3A_285 = arith.constant 128 : i32
          %add3A_286 = arith.addi %add3A_284, %add3A_285 : i32
          %dma_wait3A_287 = arith.constant 0 : i32
          %dma_wait3A_288 = arith.constant 1 : i32
          %dma_wait3A_289 = arith.constant 0 : i32
          %dma_wait3A_290 = tpu.memref_slice %arg5[%dma_wait3A_287, %dma_wait3A_288, %dma_wait3A_289] : memref<4x2x128xi32, #tpu.memory_space<vmem>> -> memref<1x1x128xi32, #tpu.memory_space<vmem>>
          %dma_wait3A_291 = tpu.memref_squeeze %dma_wait3A_290 : memref<1x1x128xi32, #tpu.memory_space<vmem>> -> memref<128xi32, #tpu.memory_space<vmem>>
          %dma_wait3A_292 = tpu.memref_slice %arg2[%add3A_286] : memref<3276800xi32, #tpu.memory_space<hbm>> -> memref<128xi32, #tpu.memory_space<hbm>>
          %dma_wait3A_293 = arith.constant 0 : i32
          %dma_wait3A_294 = tpu.memref_slice %arg5[%dma_wait3A_287, %dma_wait3A_288, %dma_wait3A_293] : memref<4x2x128xi32, #tpu.memory_space<vmem>> -> memref<1x1x128xi32, #tpu.memory_space<vmem>>
          %dma_wait3A_295 = tpu.memref_squeeze %dma_wait3A_294 : memref<1x1x128xi32, #tpu.memory_space<vmem>> -> memref<128xi32, #tpu.memory_space<vmem>>
          %dma_wait3A_296 = tpu.memref_slice %arg2[%add3A_286] : memref<3276800xi32, #tpu.memory_space<hbm>> -> memref<128xi32, #tpu.memory_space<hbm>>
          tpu.wait_dma2 semaphore(%arg11 : memref<!tpu.dma_semaphore, #tpu.memory_space<semaphore_mem>>) src(%dma_wait3A_296 : memref<128xi32, #tpu.memory_space<hbm>>) dst(%dma_wait3A_295 : memref<128xi32, #tpu.memory_space<vmem>>)
          %dma_start3A_297 = arith.constant 0 : i32
          %dma_start3A_298 = arith.constant 0 : i32
          %dma_start3A_299 = arith.constant 0 : i32
          %dma_start3A_300 = arith.constant 0 : i32
          %dma_start3A_301 = arith.constant 0 : i32
          %dma_start3A_302 = tpu.memref_slice %arg6[%dma_start3A_299, %dma_start3A_300, %dma_start3A_301] : memref<4x256x32xf32, #tpu.memory_space<vmem>> -> memref<1x128x32xf32, #tpu.memory_space<vmem>>
          %dma_start3A_303 = tpu.memref_squeeze %dma_start3A_302 : memref<1x128x32xf32, #tpu.memory_space<vmem>> -> memref<128x32xf32, #tpu.memory_space<vmem>>
          %dma_start3A_304 = arith.constant 0 : i32
          %dma_start3A_305 = tpu.memref_slice %arg5[%dma_start3A_297, %dma_start3A_298, %dma_start3A_304] : memref<4x2x128xi32, #tpu.memory_space<vmem>> -> memref<1x1x128xi32, #tpu.memory_space<vmem>>
          %dma_start3A_306 = tpu.memref_squeeze %dma_start3A_305 : memref<1x1x128xi32, #tpu.memory_space<vmem>> -> memref<128xi32, #tpu.memory_space<vmem>>
          %dma_start3A_307 = arith.constant 0 : i32
          %dma_start3A_308 = arith.constant 0 : i32
          %dma_start3A_309 = tpu.memref_slice %arg3[%dma_start3A_307, %dma_start3A_308] : memref<100000x32xf32, #tpu.memory_space<hbm>> -> memref<100000x32xf32, #tpu.memory_space<hbm>>
          tpu.enqueue_indirect_dma source(%dma_start3A_309 : memref<100000x32xf32, #tpu.memory_space<hbm>>) target(%dma_start3A_303 : memref<128x32xf32, #tpu.memory_space<vmem>>) offsets(%dma_start3A_306 : memref<128xi32, #tpu.memory_space<vmem>>) semaphore(%arg7 : memref<!tpu.dma_semaphore, #tpu.memory_space<semaphore_mem>>)
          %dma_start3A_310 = arith.constant 0 : i32
          %dma_start3A_311 = arith.constant 1 : i32
          %dma_start3A_312 = arith.constant 0 : i32
          %dma_start3A_313 = arith.constant 128 : i32
          %dma_start3A_314 = arith.constant 0 : i32
          %dma_start3A_315 = tpu.memref_slice %arg6[%dma_start3A_312, %dma_start3A_313, %dma_start3A_314] : memref<4x256x32xf32, #tpu.memory_space<vmem>> -> memref<1x128x32xf32, #tpu.memory_space<vmem>>
          %dma_start3A_316 = tpu.memref_squeeze %dma_start3A_315 : memref<1x128x32xf32, #tpu.memory_space<vmem>> -> memref<128x32xf32, #tpu.memory_space<vmem>>
          %dma_start3A_317 = arith.constant 0 : i32
          %dma_start3A_318 = tpu.memref_slice %arg5[%dma_start3A_310, %dma_start3A_311, %dma_start3A_317] : memref<4x2x128xi32, #tpu.memory_space<vmem>> -> memref<1x1x128xi32, #tpu.memory_space<vmem>>
          %dma_start3A_319 = tpu.memref_squeeze %dma_start3A_318 : memref<1x1x128xi32, #tpu.memory_space<vmem>> -> memref<128xi32, #tpu.memory_space<vmem>>
          %dma_start3A_320 = arith.constant 0 : i32
          %dma_start3A_321 = arith.constant 0 : i32
          %dma_start3A_322 = tpu.memref_slice %arg3[%dma_start3A_320, %dma_start3A_321] : memref<100000x32xf32, #tpu.memory_space<hbm>> -> memref<100000x32xf32, #tpu.memory_space<hbm>>
          tpu.enqueue_indirect_dma source(%dma_start3A_322 : memref<100000x32xf32, #tpu.memory_space<hbm>>) target(%dma_start3A_316 : memref<128x32xf32, #tpu.memory_space<vmem>>) offsets(%dma_start3A_319 : memref<128xi32, #tpu.memory_space<vmem>>) semaphore(%arg7 : memref<!tpu.dma_semaphore, #tpu.memory_space<semaphore_mem>>)
        } else {
        }
      } else {
      }
      %jit3A_191 = arith.constant 4 : i32
      %eq3A_192 = arith.constant 0 : i32
      %eq3A_193 = arith.cmpi eq, %jit3A_191, %eq3A_192 : i32
      %jit3A_194 = arith.constant 1 : i32
      %select_n3A_195 = arith.select %eq3A_193, %jit3A_194, %jit3A_191 : i32
      %rem3A_196 = arith.remsi %scan3A_133, %select_n3A_195 : i32
      %ne3A_197 = arith.constant 0 : i32
      %ne3A_198 = arith.cmpi ne, %rem3A_196, %ne3A_197 : i32
      %lt3A_199 = arith.constant 0 : i32
      %lt3A_200 = arith.cmpi slt, %rem3A_196, %lt3A_199 : i32
      %lt3A_201 = arith.constant 0 : i32
      %lt3A_202 = arith.cmpi slt, %select_n3A_195, %lt3A_201 : i32
      %ne3A_203 = arith.xori %lt3A_200, %lt3A_202 : i1
      %and3A_204 = arith.andi %ne3A_203, %ne3A_198 : i1
      %add3A_205 = arith.addi %rem3A_196, %select_n3A_195 : i32
      %select_n3A_206 = arith.select %and3A_204, %add3A_205, %rem3A_196 : i32
      %eq3A_207 = arith.constant 3 : i32
      %eq3A_208 = arith.cmpi eq, %select_n3A_206, %eq3A_207 : i32
      %convert_element_type3A_209 = arith.extui %eq3A_208 : i1 to i32
      %cond3A_210 = arith.constant 0 : i32
      %cond3A_211 = arith.cmpi ne, %convert_element_type3A_209, %cond3A_210 : i32
      scf.if %cond3A_211 {
        %add3A_212 = arith.constant 2 : i32
        %add3A_213 = arith.addi %scan3A_133, %add3A_212 : i32
        %lt3A_214 = arith.constant 400 : i32
        %lt3A_215 = arith.cmpi slt, %add3A_213, %lt3A_214 : i32
        %convert_element_type3A_216 = arith.extui %lt3A_215 : i1 to i32
        %cond3A_217 = arith.constant 0 : i32
        %cond3A_218 = arith.cmpi ne, %convert_element_type3A_216, %cond3A_217 : i32
        scf.if %cond3A_218 {
          %add3A_265 = arith.constant 512 : i32
          %add3A_266 = arith.addi %add3A_136, %add3A_265 : i32
          %add3A_267 = arith.constant 0 : i32
          %add3A_268 = arith.addi %add3A_266, %add3A_267 : i32
          %dma_start3A_269 = arith.constant 1 : i32
          %dma_start3A_270 = arith.constant 0 : i32
          %dma_start3A_271 = arith.constant 0 : i32
          %dma_start3A_272 = tpu.memref_slice %arg5[%dma_start3A_269, %dma_start3A_270, %dma_start3A_271] : memref<4x2x128xi32, #tpu.memory_space<vmem>> -> memref<1x1x128xi32, #tpu.memory_space<vmem>>
          %dma_start3A_273 = tpu.memref_squeeze %dma_start3A_272 : memref<1x1x128xi32, #tpu.memory_space<vmem>> -> memref<128xi32, #tpu.memory_space<vmem>>
          %dma_start3A_274 = tpu.memref_slice %arg2[%add3A_268] : memref<3276800xi32, #tpu.memory_space<hbm>> -> memref<128xi32, #tpu.memory_space<hbm>>
          %dma_start3A_275 = arith.constant 0 : i32
          %dma_start3A_276 = tpu.memref_slice %arg5[%dma_start3A_269, %dma_start3A_270, %dma_start3A_275] : memref<4x2x128xi32, #tpu.memory_space<vmem>> -> memref<1x1x128xi32, #tpu.memory_space<vmem>>
          %dma_start3A_277 = tpu.memref_squeeze %dma_start3A_276 : memref<1x1x128xi32, #tpu.memory_space<vmem>> -> memref<128xi32, #tpu.memory_space<vmem>>
          %dma_start3A_278 = tpu.memref_slice %arg2[%add3A_268] : memref<3276800xi32, #tpu.memory_space<hbm>> -> memref<128xi32, #tpu.memory_space<hbm>>
          tpu.enqueue_dma source(%dma_start3A_278 : memref<128xi32, #tpu.memory_space<hbm>>) target(%dma_start3A_277 : memref<128xi32, #tpu.memory_space<vmem>>) target_semaphore(%arg12 : memref<!tpu.dma_semaphore, #tpu.memory_space<semaphore_mem>>)
          %add3A_279 = arith.constant 512 : i32
          %add3A_280 = arith.addi %add3A_136, %add3A_279 : i32
          %add3A_281 = arith.constant 128 : i32
          %add3A_282 = arith.addi %add3A_280, %add3A_281 : i32
          %dma_start3A_283 = arith.constant 1 : i32
          %dma_start3A_284 = arith.constant 1 : i32
          %dma_start3A_285 = arith.constant 0 : i32
          %dma_start3A_286 = tpu.memref_slice %arg5[%dma_start3A_283, %dma_start3A_284, %dma_start3A_285] : memref<4x2x128xi32, #tpu.memory_space<vmem>> -> memref<1x1x128xi32, #tpu.memory_space<vmem>>
          %dma_start3A_287 = tpu.memref_squeeze %dma_start3A_286 : memref<1x1x128xi32, #tpu.memory_space<vmem>> -> memref<128xi32, #tpu.memory_space<vmem>>
          %dma_start3A_288 = tpu.memref_slice %arg2[%add3A_282] : memref<3276800xi32, #tpu.memory_space<hbm>> -> memref<128xi32, #tpu.memory_space<hbm>>
          %dma_start3A_289 = arith.constant 0 : i32
          %dma_start3A_290 = tpu.memref_slice %arg5[%dma_start3A_283, %dma_start3A_284, %dma_start3A_289] : memref<4x2x128xi32, #tpu.memory_space<vmem>> -> memref<1x1x128xi32, #tpu.memory_space<vmem>>
          %dma_start3A_291 = tpu.memref_squeeze %dma_start3A_290 : memref<1x1x128xi32, #tpu.memory_space<vmem>> -> memref<128xi32, #tpu.memory_space<vmem>>
          %dma_start3A_292 = tpu.memref_slice %arg2[%add3A_282] : memref<3276800xi32, #tpu.memory_space<hbm>> -> memref<128xi32, #tpu.memory_space<hbm>>
          tpu.enqueue_dma source(%dma_start3A_292 : memref<128xi32, #tpu.memory_space<hbm>>) target(%dma_start3A_291 : memref<128xi32, #tpu.memory_space<vmem>>) target_semaphore(%arg12 : memref<!tpu.dma_semaphore, #tpu.memory_space<semaphore_mem>>)
        } else {
        }
        %dma_wait3A_219 = arith.constant 3 : i32
        %dma_wait3A_220 = arith.constant 0 : i32
        %dma_wait3A_221 = arith.constant 3 : i32
        %dma_wait3A_222 = arith.constant 0 : i32
        %dma_wait3A_223 = arith.constant 0 : i32
        %dma_wait3A_224 = tpu.memref_slice %arg6[%dma_wait3A_221, %dma_wait3A_222, %dma_wait3A_223] : memref<4x256x32xf32, #tpu.memory_space<vmem>> -> memref<1x128x32xf32, #tpu.memory_space<vmem>>
        %dma_wait3A_225 = tpu.memref_squeeze %dma_wait3A_224 : memref<1x128x32xf32, #tpu.memory_space<vmem>> -> memref<128x32xf32, #tpu.memory_space<vmem>>
        %dma_wait3A_226 = arith.constant 0 : i32
        %dma_wait3A_227 = tpu.memref_slice %arg5[%dma_wait3A_219, %dma_wait3A_220, %dma_wait3A_226] : memref<4x2x128xi32, #tpu.memory_space<vmem>> -> memref<1x1x128xi32, #tpu.memory_space<vmem>>
        %dma_wait3A_228 = tpu.memref_squeeze %dma_wait3A_227 : memref<1x1x128xi32, #tpu.memory_space<vmem>> -> memref<128xi32, #tpu.memory_space<vmem>>
        %dma_wait3A_229 = arith.constant 0 : i32
        %dma_wait3A_230 = arith.constant 0 : i32
        %dma_wait3A_231 = tpu.memref_slice %arg3[%dma_wait3A_229, %dma_wait3A_230] : memref<100000x32xf32, #tpu.memory_space<hbm>> -> memref<100000x32xf32, #tpu.memory_space<hbm>>
        tpu.wait_indirect_dma semaphore(%arg10 : memref<!tpu.dma_semaphore, #tpu.memory_space<semaphore_mem>>) src(%dma_wait3A_231 : memref<100000x32xf32, #tpu.memory_space<hbm>>) dst(%dma_wait3A_225 : memref<128x32xf32, #tpu.memory_space<vmem>>)
        %dma_wait3A_232 = arith.constant 3 : i32
        %dma_wait3A_233 = arith.constant 1 : i32
        %dma_wait3A_234 = arith.constant 3 : i32
        %dma_wait3A_235 = arith.constant 128 : i32
        %dma_wait3A_236 = arith.constant 0 : i32
        %dma_wait3A_237 = tpu.memref_slice %arg6[%dma_wait3A_234, %dma_wait3A_235, %dma_wait3A_236] : memref<4x256x32xf32, #tpu.memory_space<vmem>> -> memref<1x128x32xf32, #tpu.memory_space<vmem>>
        %dma_wait3A_238 = tpu.memref_squeeze %dma_wait3A_237 : memref<1x128x32xf32, #tpu.memory_space<vmem>> -> memref<128x32xf32, #tpu.memory_space<vmem>>
        %dma_wait3A_239 = arith.constant 0 : i32
        %dma_wait3A_240 = tpu.memref_slice %arg5[%dma_wait3A_232, %dma_wait3A_233, %dma_wait3A_239] : memref<4x2x128xi32, #tpu.memory_space<vmem>> -> memref<1x1x128xi32, #tpu.memory_space<vmem>>
        %dma_wait3A_241 = tpu.memref_squeeze %dma_wait3A_240 : memref<1x1x128xi32, #tpu.memory_space<vmem>> -> memref<128xi32, #tpu.memory_space<vmem>>
        %dma_wait3A_242 = arith.constant 0 : i32
        %dma_wait3A_243 = arith.constant 0 : i32
        %dma_wait3A_244 = tpu.memref_slice %arg3[%dma_wait3A_242, %dma_wait3A_243] : memref<100000x32xf32, #tpu.memory_space<hbm>> -> memref<100000x32xf32, #tpu.memory_space<hbm>>
        tpu.wait_indirect_dma semaphore(%arg10 : memref<!tpu.dma_semaphore, #tpu.memory_space<semaphore_mem>>) src(%dma_wait3A_244 : memref<100000x32xf32, #tpu.memory_space<hbm>>) dst(%dma_wait3A_238 : memref<128x32xf32, #tpu.memory_space<vmem>>)
        %dma_start3A_245 = arith.constant 3 : i32
        %dma_start3A_246 = arith.constant 0 : i32
        %dma_start3A_247 = arith.constant 0 : i32
        %dma_start3A_248 = tpu.memref_slice %arg6[%dma_start3A_245, %dma_start3A_246, %dma_start3A_247] : memref<4x256x32xf32, #tpu.memory_space<vmem>> -> memref<1x256x32xf32, #tpu.memory_space<vmem>>
        %dma_start3A_249 = tpu.memref_squeeze %dma_start3A_248 : memref<1x256x32xf32, #tpu.memory_space<vmem>> -> memref<256x32xf32, #tpu.memory_space<vmem>>
        %dma_start3A_250 = arith.constant 0 : i32
        %dma_start3A_251 = tpu.memref_slice %arg4[%add3A_136, %dma_start3A_250] : memref<3276800x32xf32, #tpu.memory_space<hbm>> -> memref<256x32xf32, #tpu.memory_space<hbm>>
        %dma_start3A_252 = arith.constant 0 : i32
        %dma_start3A_253 = tpu.memref_slice %arg4[%add3A_136, %dma_start3A_252] : memref<3276800x32xf32, #tpu.memory_space<hbm>> -> memref<256x32xf32, #tpu.memory_space<hbm>>
        %dma_start3A_254 = arith.constant 0 : i32
        %dma_start3A_255 = arith.constant 0 : i32
        %dma_start3A_256 = tpu.memref_slice %arg6[%dma_start3A_245, %dma_start3A_254, %dma_start3A_255] : memref<4x256x32xf32, #tpu.memory_space<vmem>> -> memref<1x256x32xf32, #tpu.memory_space<vmem>>
        %dma_start3A_257 = tpu.memref_squeeze %dma_start3A_256 : memref<1x256x32xf32, #tpu.memory_space<vmem>> -> memref<256x32xf32, #tpu.memory_space<vmem>>
        tpu.enqueue_dma source(%dma_start3A_257 : memref<256x32xf32, #tpu.memory_space<vmem>>) target(%dma_start3A_253 : memref<256x32xf32, #tpu.memory_space<hbm>>) target_semaphore(%arg18 : memref<!tpu.dma_semaphore, #tpu.memory_space<semaphore_mem>>)
        %add3A_258 = arith.constant 2 : i32
        %add3A_259 = arith.addi %scan3A_133, %add3A_258 : i32
        %lt3A_260 = arith.constant 400 : i32
        %lt3A_261 = arith.cmpi slt, %add3A_259, %lt3A_260 : i32
        %convert_element_type3A_262 = arith.extui %lt3A_261 : i1 to i32
        %cond3A_263 = arith.constant 0 : i32
        %cond3A_264 = arith.cmpi ne, %convert_element_type3A_262, %cond3A_263 : i32
        scf.if %cond3A_264 {
          %ge3A = arith.constant 2 : i32
          %ge3A_265 = arith.cmpi sge, %scan3A_133, %ge3A : i32
          %convert_element_type3A_266 = arith.extui %ge3A_265 : i1 to i32
          %cond3A_267 = arith.constant 0 : i32
          %cond3A_268 = arith.cmpi ne, %convert_element_type3A_266, %cond3A_267 : i32
          scf.if %cond3A_268 {
            %sub3A = arith.constant 512 : i32
            %sub3A_323 = arith.subi %add3A_136, %sub3A : i32
            %dma_wait3A_324 = arith.constant 1 : i32
            %dma_wait3A_325 = arith.constant 0 : i32
            %dma_wait3A_326 = arith.constant 0 : i32
            %dma_wait3A_327 = tpu.memref_slice %arg6[%dma_wait3A_324, %dma_wait3A_325, %dma_wait3A_326] : memref<4x256x32xf32, #tpu.memory_space<vmem>> -> memref<1x256x32xf32, #tpu.memory_space<vmem>>
            %dma_wait3A_328 = tpu.memref_squeeze %dma_wait3A_327 : memref<1x256x32xf32, #tpu.memory_space<vmem>> -> memref<256x32xf32, #tpu.memory_space<vmem>>
            %dma_wait3A_329 = arith.constant 0 : i32
            %dma_wait3A_330 = tpu.memref_slice %arg4[%sub3A_323, %dma_wait3A_329] : memref<3276800x32xf32, #tpu.memory_space<hbm>> -> memref<256x32xf32, #tpu.memory_space<hbm>>
            %dma_wait3A_331 = arith.constant 0 : i32
            %dma_wait3A_332 = tpu.memref_slice %arg4[%sub3A_323, %dma_wait3A_331] : memref<3276800x32xf32, #tpu.memory_space<hbm>> -> memref<256x32xf32, #tpu.memory_space<hbm>>
            %dma_wait3A_333 = arith.constant 0 : i32
            %dma_wait3A_334 = arith.constant 0 : i32
            %dma_wait3A_335 = tpu.memref_slice %arg6[%dma_wait3A_324, %dma_wait3A_333, %dma_wait3A_334] : memref<4x256x32xf32, #tpu.memory_space<vmem>> -> memref<1x256x32xf32, #tpu.memory_space<vmem>>
            %dma_wait3A_336 = tpu.memref_squeeze %dma_wait3A_335 : memref<1x256x32xf32, #tpu.memory_space<vmem>> -> memref<256x32xf32, #tpu.memory_space<vmem>>
            tpu.wait_dma2 semaphore(%arg16 : memref<!tpu.dma_semaphore, #tpu.memory_space<semaphore_mem>>) src(%dma_wait3A_336 : memref<256x32xf32, #tpu.memory_space<vmem>>) dst(%dma_wait3A_332 : memref<256x32xf32, #tpu.memory_space<hbm>>)
          } else {
          }
          %add3A_269 = arith.constant 512 : i32
          %add3A_270 = arith.addi %add3A_136, %add3A_269 : i32
          %add3A_271 = arith.constant 0 : i32
          %add3A_272 = arith.addi %add3A_270, %add3A_271 : i32
          %dma_wait3A_273 = arith.constant 1 : i32
          %dma_wait3A_274 = arith.constant 0 : i32
          %dma_wait3A_275 = arith.constant 0 : i32
          %dma_wait3A_276 = tpu.memref_slice %arg5[%dma_wait3A_273, %dma_wait3A_274, %dma_wait3A_275] : memref<4x2x128xi32, #tpu.memory_space<vmem>> -> memref<1x1x128xi32, #tpu.memory_space<vmem>>
          %dma_wait3A_277 = tpu.memref_squeeze %dma_wait3A_276 : memref<1x1x128xi32, #tpu.memory_space<vmem>> -> memref<128xi32, #tpu.memory_space<vmem>>
          %dma_wait3A_278 = tpu.memref_slice %arg2[%add3A_272] : memref<3276800xi32, #tpu.memory_space<hbm>> -> memref<128xi32, #tpu.memory_space<hbm>>
          %dma_wait3A_279 = arith.constant 0 : i32
          %dma_wait3A_280 = tpu.memref_slice %arg5[%dma_wait3A_273, %dma_wait3A_274, %dma_wait3A_279] : memref<4x2x128xi32, #tpu.memory_space<vmem>> -> memref<1x1x128xi32, #tpu.memory_space<vmem>>
          %dma_wait3A_281 = tpu.memref_squeeze %dma_wait3A_280 : memref<1x1x128xi32, #tpu.memory_space<vmem>> -> memref<128xi32, #tpu.memory_space<vmem>>
          %dma_wait3A_282 = tpu.memref_slice %arg2[%add3A_272] : memref<3276800xi32, #tpu.memory_space<hbm>> -> memref<128xi32, #tpu.memory_space<hbm>>
          tpu.wait_dma2 semaphore(%arg12 : memref<!tpu.dma_semaphore, #tpu.memory_space<semaphore_mem>>) src(%dma_wait3A_282 : memref<128xi32, #tpu.memory_space<hbm>>) dst(%dma_wait3A_281 : memref<128xi32, #tpu.memory_space<vmem>>)
          %add3A_283 = arith.constant 512 : i32
          %add3A_284 = arith.addi %add3A_136, %add3A_283 : i32
          %add3A_285 = arith.constant 128 : i32
          %add3A_286 = arith.addi %add3A_284, %add3A_285 : i32
          %dma_wait3A_287 = arith.constant 1 : i32
          %dma_wait3A_288 = arith.constant 1 : i32
          %dma_wait3A_289 = arith.constant 0 : i32
          %dma_wait3A_290 = tpu.memref_slice %arg5[%dma_wait3A_287, %dma_wait3A_288, %dma_wait3A_289] : memref<4x2x128xi32, #tpu.memory_space<vmem>> -> memref<1x1x128xi32, #tpu.memory_space<vmem>>
          %dma_wait3A_291 = tpu.memref_squeeze %dma_wait3A_290 : memref<1x1x128xi32, #tpu.memory_space<vmem>> -> memref<128xi32, #tpu.memory_space<vmem>>
          %dma_wait3A_292 = tpu.memref_slice %arg2[%add3A_286] : memref<3276800xi32, #tpu.memory_space<hbm>> -> memref<128xi32, #tpu.memory_space<hbm>>
          %dma_wait3A_293 = arith.constant 0 : i32
          %dma_wait3A_294 = tpu.memref_slice %arg5[%dma_wait3A_287, %dma_wait3A_288, %dma_wait3A_293] : memref<4x2x128xi32, #tpu.memory_space<vmem>> -> memref<1x1x128xi32, #tpu.memory_space<vmem>>
          %dma_wait3A_295 = tpu.memref_squeeze %dma_wait3A_294 : memref<1x1x128xi32, #tpu.memory_space<vmem>> -> memref<128xi32, #tpu.memory_space<vmem>>
          %dma_wait3A_296 = tpu.memref_slice %arg2[%add3A_286] : memref<3276800xi32, #tpu.memory_space<hbm>> -> memref<128xi32, #tpu.memory_space<hbm>>
          tpu.wait_dma2 semaphore(%arg12 : memref<!tpu.dma_semaphore, #tpu.memory_space<semaphore_mem>>) src(%dma_wait3A_296 : memref<128xi32, #tpu.memory_space<hbm>>) dst(%dma_wait3A_295 : memref<128xi32, #tpu.memory_space<vmem>>)
          %dma_start3A_297 = arith.constant 1 : i32
          %dma_start3A_298 = arith.constant 0 : i32
          %dma_start3A_299 = arith.constant 1 : i32
          %dma_start3A_300 = arith.constant 0 : i32
          %dma_start3A_301 = arith.constant 0 : i32
          %dma_start3A_302 = tpu.memref_slice %arg6[%dma_start3A_299, %dma_start3A_300, %dma_start3A_301] : memref<4x256x32xf32, #tpu.memory_space<vmem>> -> memref<1x128x32xf32, #tpu.memory_space<vmem>>
          %dma_start3A_303 = tpu.memref_squeeze %dma_start3A_302 : memref<1x128x32xf32, #tpu.memory_space<vmem>> -> memref<128x32xf32, #tpu.memory_space<vmem>>
          %dma_start3A_304 = arith.constant 0 : i32
          %dma_start3A_305 = tpu.memref_slice %arg5[%dma_start3A_297, %dma_start3A_298, %dma_start3A_304] : memref<4x2x128xi32, #tpu.memory_space<vmem>> -> memref<1x1x128xi32, #tpu.memory_space<vmem>>
          %dma_start3A_306 = tpu.memref_squeeze %dma_start3A_305 : memref<1x1x128xi32, #tpu.memory_space<vmem>> -> memref<128xi32, #tpu.memory_space<vmem>>
          %dma_start3A_307 = arith.constant 0 : i32
          %dma_start3A_308 = arith.constant 0 : i32
          %dma_start3A_309 = tpu.memref_slice %arg3[%dma_start3A_307, %dma_start3A_308] : memref<100000x32xf32, #tpu.memory_space<hbm>> -> memref<100000x32xf32, #tpu.memory_space<hbm>>
          tpu.enqueue_indirect_dma source(%dma_start3A_309 : memref<100000x32xf32, #tpu.memory_space<hbm>>) target(%dma_start3A_303 : memref<128x32xf32, #tpu.memory_space<vmem>>) offsets(%dma_start3A_306 : memref<128xi32, #tpu.memory_space<vmem>>) semaphore(%arg8 : memref<!tpu.dma_semaphore, #tpu.memory_space<semaphore_mem>>)
          %dma_start3A_310 = arith.constant 1 : i32
          %dma_start3A_311 = arith.constant 1 : i32
          %dma_start3A_312 = arith.constant 1 : i32
          %dma_start3A_313 = arith.constant 128 : i32
          %dma_start3A_314 = arith.constant 0 : i32
          %dma_start3A_315 = tpu.memref_slice %arg6[%dma_start3A_312, %dma_start3A_313, %dma_start3A_314] : memref<4x256x32xf32, #tpu.memory_space<vmem>> -> memref<1x128x32xf32, #tpu.memory_space<vmem>>
          %dma_start3A_316 = tpu.memref_squeeze %dma_start3A_315 : memref<1x128x32xf32, #tpu.memory_space<vmem>> -> memref<128x32xf32, #tpu.memory_space<vmem>>
          %dma_start3A_317 = arith.constant 0 : i32
          %dma_start3A_318 = tpu.memref_slice %arg5[%dma_start3A_310, %dma_start3A_311, %dma_start3A_317] : memref<4x2x128xi32, #tpu.memory_space<vmem>> -> memref<1x1x128xi32, #tpu.memory_space<vmem>>
          %dma_start3A_319 = tpu.memref_squeeze %dma_start3A_318 : memref<1x1x128xi32, #tpu.memory_space<vmem>> -> memref<128xi32, #tpu.memory_space<vmem>>
          %dma_start3A_320 = arith.constant 0 : i32
          %dma_start3A_321 = arith.constant 0 : i32
          %dma_start3A_322 = tpu.memref_slice %arg3[%dma_start3A_320, %dma_start3A_321] : memref<100000x32xf32, #tpu.memory_space<hbm>> -> memref<100000x32xf32, #tpu.memory_space<hbm>>
          tpu.enqueue_indirect_dma source(%dma_start3A_322 : memref<100000x32xf32, #tpu.memory_space<hbm>>) target(%dma_start3A_316 : memref<128x32xf32, #tpu.memory_space<vmem>>) offsets(%dma_start3A_319 : memref<128xi32, #tpu.memory_space<vmem>>) semaphore(%arg8 : memref<!tpu.dma_semaphore, #tpu.memory_space<semaphore_mem>>)
        } else {
        }
      } else {
      }
    }
    %scan3A_73 = arith.constant 400 : i32
    %add3A_74 = arith.constant 102144 : i32
    %add3A_75 = arith.addi %mul3A_2, %add3A_74 : i32
    %dma_wait3A = arith.constant 3 : i32
    %dma_wait3A_76 = arith.constant 0 : i32
    %dma_wait3A_77 = arith.constant 0 : i32
    %dma_wait3A_78 = tpu.memref_slice %arg6[%dma_wait3A, %dma_wait3A_76, %dma_wait3A_77] : memref<4x256x32xf32, #tpu.memory_space<vmem>> -> memref<1x256x32xf32, #tpu.memory_space<vmem>>
    %dma_wait3A_79 = tpu.memref_squeeze %dma_wait3A_78 : memref<1x256x32xf32, #tpu.memory_space<vmem>> -> memref<256x32xf32, #tpu.memory_space<vmem>>
    %dma_wait3A_80 = arith.constant 0 : i32
    %dma_wait3A_81 = tpu.memref_slice %arg4[%add3A_75, %dma_wait3A_80] : memref<3276800x32xf32, #tpu.memory_space<hbm>> -> memref<256x32xf32, #tpu.memory_space<hbm>>
    %dma_wait3A_82 = arith.constant 0 : i32
    %dma_wait3A_83 = tpu.memref_slice %arg4[%add3A_75, %dma_wait3A_82] : memref<3276800x32xf32, #tpu.memory_space<hbm>> -> memref<256x32xf32, #tpu.memory_space<hbm>>
    %dma_wait3A_84 = arith.constant 0 : i32
    %dma_wait3A_85 = arith.constant 0 : i32
    %dma_wait3A_86 = tpu.memref_slice %arg6[%dma_wait3A, %dma_wait3A_84, %dma_wait3A_85] : memref<4x256x32xf32, #tpu.memory_space<vmem>> -> memref<1x256x32xf32, #tpu.memory_space<vmem>>
    %dma_wait3A_87 = tpu.memref_squeeze %dma_wait3A_86 : memref<1x256x32xf32, #tpu.memory_space<vmem>> -> memref<256x32xf32, #tpu.memory_space<vmem>>
    tpu.wait_dma2 semaphore(%arg18 : memref<!tpu.dma_semaphore, #tpu.memory_space<semaphore_mem>>) src(%dma_wait3A_87 : memref<256x32xf32, #tpu.memory_space<vmem>>) dst(%dma_wait3A_83 : memref<256x32xf32, #tpu.memory_space<hbm>>)
    %add3A_88 = arith.constant 101888 : i32
    %add3A_89 = arith.addi %mul3A_2, %add3A_88 : i32
    %dma_wait3A_90 = arith.constant 2 : i32
    %dma_wait3A_91 = arith.constant 0 : i32
    %dma_wait3A_92 = arith.constant 0 : i32
    %dma_wait3A_93 = tpu.memref_slice %arg6[%dma_wait3A_90, %dma_wait3A_91, %dma_wait3A_92] : memref<4x256x32xf32, #tpu.memory_space<vmem>> -> memref<1x256x32xf32, #tpu.memory_space<vmem>>
    %dma_wait3A_94 = tpu.memref_squeeze %dma_wait3A_93 : memref<1x256x32xf32, #tpu.memory_space<vmem>> -> memref<256x32xf32, #tpu.memory_space<vmem>>
    %dma_wait3A_95 = arith.constant 0 : i32
    %dma_wait3A_96 = tpu.memref_slice %arg4[%add3A_89, %dma_wait3A_95] : memref<3276800x32xf32, #tpu.memory_space<hbm>> -> memref<256x32xf32, #tpu.memory_space<hbm>>
    %dma_wait3A_97 = arith.constant 0 : i32
    %dma_wait3A_98 = tpu.memref_slice %arg4[%add3A_89, %dma_wait3A_97] : memref<3276800x32xf32, #tpu.memory_space<hbm>> -> memref<256x32xf32, #tpu.memory_space<hbm>>
    %dma_wait3A_99 = arith.constant 0 : i32
    %dma_wait3A_100 = arith.constant 0 : i32
    %dma_wait3A_101 = tpu.memref_slice %arg6[%dma_wait3A_90, %dma_wait3A_99, %dma_wait3A_100] : memref<4x256x32xf32, #tpu.memory_space<vmem>> -> memref<1x256x32xf32, #tpu.memory_space<vmem>>
    %dma_wait3A_102 = tpu.memref_squeeze %dma_wait3A_101 : memref<1x256x32xf32, #tpu.memory_space<vmem>> -> memref<256x32xf32, #tpu.memory_space<vmem>>
    tpu.wait_dma2 semaphore(%arg17 : memref<!tpu.dma_semaphore, #tpu.memory_space<semaphore_mem>>) src(%dma_wait3A_102 : memref<256x32xf32, #tpu.memory_space<vmem>>) dst(%dma_wait3A_98 : memref<256x32xf32, #tpu.memory_space<hbm>>)
    %add3A_103 = arith.constant 101632 : i32
    %add3A_104 = arith.addi %mul3A_2, %add3A_103 : i32
    %dma_wait3A_105 = arith.constant 1 : i32
    %dma_wait3A_106 = arith.constant 0 : i32
    %dma_wait3A_107 = arith.constant 0 : i32
    %dma_wait3A_108 = tpu.memref_slice %arg6[%dma_wait3A_105, %dma_wait3A_106, %dma_wait3A_107] : memref<4x256x32xf32, #tpu.memory_space<vmem>> -> memref<1x256x32xf32, #tpu.memory_space<vmem>>
    %dma_wait3A_109 = tpu.memref_squeeze %dma_wait3A_108 : memref<1x256x32xf32, #tpu.memory_space<vmem>> -> memref<256x32xf32, #tpu.memory_space<vmem>>
    %dma_wait3A_110 = arith.constant 0 : i32
    %dma_wait3A_111 = tpu.memref_slice %arg4[%add3A_104, %dma_wait3A_110] : memref<3276800x32xf32, #tpu.memory_space<hbm>> -> memref<256x32xf32, #tpu.memory_space<hbm>>
    %dma_wait3A_112 = arith.constant 0 : i32
    %dma_wait3A_113 = tpu.memref_slice %arg4[%add3A_104, %dma_wait3A_112] : memref<3276800x32xf32, #tpu.memory_space<hbm>> -> memref<256x32xf32, #tpu.memory_space<hbm>>
    %dma_wait3A_114 = arith.constant 0 : i32
    %dma_wait3A_115 = arith.constant 0 : i32
    %dma_wait3A_116 = tpu.memref_slice %arg6[%dma_wait3A_105, %dma_wait3A_114, %dma_wait3A_115] : memref<4x256x32xf32, #tpu.memory_space<vmem>> -> memref<1x256x32xf32, #tpu.memory_space<vmem>>
    %dma_wait3A_117 = tpu.memref_squeeze %dma_wait3A_116 : memref<1x256x32xf32, #tpu.memory_space<vmem>> -> memref<256x32xf32, #tpu.memory_space<vmem>>
    tpu.wait_dma2 semaphore(%arg16 : memref<!tpu.dma_semaphore, #tpu.memory_space<semaphore_mem>>) src(%dma_wait3A_117 : memref<256x32xf32, #tpu.memory_space<vmem>>) dst(%dma_wait3A_113 : memref<256x32xf32, #tpu.memory_space<hbm>>)
    %add3A_118 = arith.constant 101376 : i32
    %add3A_119 = arith.addi %mul3A_2, %add3A_118 : i32
    %dma_wait3A_120 = arith.constant 0 : i32
    %dma_wait3A_121 = arith.constant 0 : i32
    %dma_wait3A_122 = arith.constant 0 : i32
    %dma_wait3A_123 = tpu.memref_slice %arg6[%dma_wait3A_120, %dma_wait3A_121, %dma_wait3A_122] : memref<4x256x32xf32, #tpu.memory_space<vmem>> -> memref<1x256x32xf32, #tpu.memory_space<vmem>>
    %dma_wait3A_124 = tpu.memref_squeeze %dma_wait3A_123 : memref<1x256x32xf32, #tpu.memory_space<vmem>> -> memref<256x32xf32, #tpu.memory_space<vmem>>
    %dma_wait3A_125 = arith.constant 0 : i32
    %dma_wait3A_126 = tpu.memref_slice %arg4[%add3A_119, %dma_wait3A_125] : memref<3276800x32xf32, #tpu.memory_space<hbm>> -> memref<256x32xf32, #tpu.memory_space<hbm>>
    %dma_wait3A_127 = arith.constant 0 : i32
    %dma_wait3A_128 = tpu.memref_slice %arg4[%add3A_119, %dma_wait3A_127] : memref<3276800x32xf32, #tpu.memory_space<hbm>> -> memref<256x32xf32, #tpu.memory_space<hbm>>
    %dma_wait3A_129 = arith.constant 0 : i32
    %dma_wait3A_130 = arith.constant 0 : i32
    %dma_wait3A_131 = tpu.memref_slice %arg6[%dma_wait3A_120, %dma_wait3A_129, %dma_wait3A_130] : memref<4x256x32xf32, #tpu.memory_space<vmem>> -> memref<1x256x32xf32, #tpu.memory_space<vmem>>
    %dma_wait3A_132 = tpu.memref_squeeze %dma_wait3A_131 : memref<1x256x32xf32, #tpu.memory_space<vmem>> -> memref<256x32xf32, #tpu.memory_space<vmem>>
    tpu.wait_dma2 semaphore(%arg15 : memref<!tpu.dma_semaphore, #tpu.memory_space<semaphore_mem>>) src(%dma_wait3A_132 : memref<256x32xf32, #tpu.memory_space<vmem>>) dst(%dma_wait3A_128 : memref<256x32xf32, #tpu.memory_space<hbm>>)
    return
  }
}

module attributes {stable_mosaic.version = 14 : i64} {
  func.func @_tc_ln_body(%arg0: i32, %arg1: memref<1000x32xf32, #tpu.memory_space<vmem>>, %arg2: memref<1x32xf32, #tpu.memory_space<vmem>>, %arg3: memref<1x32xf32, #tpu.memory_space<vmem>>, %arg4: memref<1000x32xf32, #tpu.memory_space<vmem>>) attributes {dimension_semantics = [#tpu.dimension_semantics<arbitrary>], iteration_bounds = array<i64: 100>, scalar_prefetch = 0 : i64, scratch_operands = 0 : i64, tpu.core_type = #tpu.core_type<tc>, window_params = [{transform_indices = @transform_0, window_bounds = array<i64: 1000, 32>}, {pipeline_mode = #tpu.pipeline_mode<synchronous>, transform_indices = @transform_1, window_bounds = array<i64: 1, 32>}, {pipeline_mode = #tpu.pipeline_mode<synchronous>, transform_indices = @transform_2, window_bounds = array<i64: 1, 32>}, {transform_indices = @transform_3, window_bounds = array<i64: 1000, 32>}]} {
    %get3A = arith.constant 0 : index
    %get3A_0 = arith.constant 0 : index
    %get3A_1 = vector.load %arg1[%get3A, %get3A_0] : memref<1000x32xf32, #tpu.memory_space<vmem>>, vector<1000x32xf32>
    %reduce_sum3A = arith.constant dense<0.000000e+00> : vector<1000xf32>
    %reduce_sum3A_2 = vector.multi_reduction <add>, %get3A_1, %reduce_sum3A [1] : vector<1000x32xf32> to vector<1000xf32>
    %broadcast_in_dim3A = vector.shape_cast %reduce_sum3A_2 : vector<1000xf32> to vector<1000x1xf32>
    %div3A = arith.constant 3.200000e+01 : f32
    %div3A_3 = vector.broadcast %div3A : f32 to vector<1000x1xf32>
    %div3A_4 = arith.divf %broadcast_in_dim3A, %div3A_3 : vector<1000x1xf32>
    %sub3A = vector.broadcast %div3A_4 : vector<1000x1xf32> to vector<1000x32xf32>
    %sub3A_5 = arith.subf %get3A_1, %sub3A : vector<1000x32xf32>
    %integer_pow3A = arith.mulf %sub3A_5, %sub3A_5 : vector<1000x32xf32>
    %reduce_sum3A_6 = arith.constant dense<0.000000e+00> : vector<1000xf32>
    %reduce_sum3A_7 = vector.multi_reduction <add>, %integer_pow3A, %reduce_sum3A_6 [1] : vector<1000x32xf32> to vector<1000xf32>
    %broadcast_in_dim3A_8 = vector.shape_cast %reduce_sum3A_7 : vector<1000xf32> to vector<1000x1xf32>
    %div3A_9 = arith.constant 3.200000e+01 : f32
    %div3A_10 = vector.broadcast %div3A_9 : f32 to vector<1000x1xf32>
    %div3A_11 = arith.divf %broadcast_in_dim3A_8, %div3A_10 : vector<1000x1xf32>
    %sub3A_12 = vector.broadcast %div3A_4 : vector<1000x1xf32> to vector<1000x32xf32>
    %sub3A_13 = arith.subf %get3A_1, %sub3A_12 : vector<1000x32xf32>
    %add3A = arith.constant 9.99999974E-6 : f32
    %add3A_14 = vector.broadcast %add3A : f32 to vector<1000x1xf32>
    %add3A_15 = arith.addf %div3A_11, %add3A_14 : vector<1000x1xf32>
    %sqrt3A = math.sqrt %add3A_15 : vector<1000x1xf32>
    %div3A_16 = vector.broadcast %sqrt3A : vector<1000x1xf32> to vector<1000x32xf32>
    %div3A_17 = arith.divf %sub3A_13, %div3A_16 : vector<1000x32xf32>
    %get3A_18 = arith.constant 0 : index
    %get3A_19 = arith.constant 0 : index
    %get3A_20 = vector.load %arg2[%get3A_18, %get3A_19] : memref<1x32xf32, #tpu.memory_space<vmem>>, vector<1x32xf32>
    %mul3A = vector.broadcast %get3A_20 : vector<1x32xf32> to vector<1000x32xf32>
    %mul3A_21 = arith.mulf %div3A_17, %mul3A : vector<1000x32xf32>
    %get3A_22 = arith.constant 0 : index
    %get3A_23 = arith.constant 0 : index
    %get3A_24 = vector.load %arg3[%get3A_22, %get3A_23] : memref<1x32xf32, #tpu.memory_space<vmem>>, vector<1x32xf32>
    %add3A_25 = vector.broadcast %get3A_24 : vector<1x32xf32> to vector<1000x32xf32>
    %add3A_26 = arith.addf %mul3A_21, %add3A_25 : vector<1000x32xf32>
    %swap3A = arith.constant 0 : index
    %swap3A_27 = arith.constant 0 : index
    %swap3A_28 = vector.load %arg4[%swap3A, %swap3A_27] : memref<1000x32xf32, #tpu.memory_space<vmem>>, vector<1000x32xf32>
    tpu.vector_store %arg4[%swap3A, %swap3A_27], %add3A_26 {strides = array<i32>} : memref<1000x32xf32, #tpu.memory_space<vmem>>, vector<1000x32xf32>,
    return
  }
  func.func @transform_0(%arg0: i32) -> (i32, i32) {
    %c0_i32 = arith.constant 0 : i32
    %c0_i32_0 = arith.constant 0 : i32
    return %arg0, %c0_i32 : i32, i32
  }
  func.func @transform_1(%arg0: i32) -> (i32, i32) {
    %c0_i32 = arith.constant 0 : i32
    %c0_i32_0 = arith.constant 0 : i32
    %c0_i32_1 = arith.constant 0 : i32
    return %c0_i32, %c0_i32_0 : i32, i32
  }
  func.func @transform_2(%arg0: i32) -> (i32, i32) {
    %c0_i32 = arith.constant 0 : i32
    %c0_i32_0 = arith.constant 0 : i32
    %c0_i32_1 = arith.constant 0 : i32
    return %c0_i32, %c0_i32_0 : i32, i32
  }
  func.func @transform_3(%arg0: i32) -> (i32, i32) {
    %c0_i32 = arith.constant 0 : i32
    %c0_i32_0 = arith.constant 0 : i32
    return %arg0, %c0_i32 : i32, i32
  }
}

</mosaic_0001>

<sc_bundles>
// kernel: kernel.4.cloned.1.call-start
scs
__scs_entry_jumppad:
0x0: {  	(pc) =	sbr.rel $0x88, $3  }
0x1: {  	(tag) =	ssettag $0x0;
	lr =	simm.s32 $0x1  }
0x2: {  	[smem:$0x3F9D] =	sst lr;
	_ =	strace $0xD0000000  }
0x3: {  	_ = 	snop  }
0x4: {  	_ = 	snop  }
0x5: {  	_ = 	snop  }
0x6: {  	_ = 	snop  }
0x7: {  	_ = 	snop  }
__scs_overlays_trampoline_lowered:
0x8: {  	[smem:$0x3FAC] =	sst s0  }
0x9: {  	[smem:$0x3FAD] =	sst s1  }
0xa: {  	[smem:$0x3FAE] =	sst s2  }
0xb: {  	[smem:$0x3FAF] =	sst s3  }
0xc: {  	[smem:$0x3FB0] =	sst s4  }
0xd: {  	[smem:$0x3FB1] =	sst s5  }
0xe: {  	[smem:$0x3FB2] =	sst s6  }
0xf: {  	[smem:$0x3FB3] =	sst s7  }
0x10: {  	[smem:$0x3FB4] =	sst s8  }
0x11: {  	[smem:$0x3FB5] =	sst s9;
	s0 =	simm.s32 @!p0 $0x0  }
0x12: {  	s1 =	sld [smem:$0x3F9B];
	s0 =	simm.s32 @p0 $0x1  }
0x13: {  	[smem:$0x3FB6] =	sst s0;
	s0 =	simm.s32 @!p1 $0x0  }
0x14: {  	s2 =	sld [smem:$0x3F9A];
	s0 =	simm.s32 @p1 $0x1  }
0x15: {  	[smem:$0x3FB7] =	sst s0;
	s0 =	simm.s32 @!p2 $0x0  }
0x16: {  	s3 =	sld [smem:$0x3FDB];
	s0 =	simm.s32 @p2 $0x1  }
0x17: {  	s4 =	simm.s32 $0x1BF5;
	[smem:$0x3FB9] =	sst s0  }
0x18: {  	s0 =	sld [smem:$0x3F9C];
	_ =	swait.ge [sflag:s4], $0x0  }
0x19: {  	s7 =	sld [smem:$0x3F9D]  }
0x1a: {  	s8 =	sadd.s32 $0xFFFFE003, lr  }
0x1b: {  	s9 =	sadd.s32 $0xFFFFFEF7, lr;
	s5 =	simm.s32 $0xFFFFFFFF;
	p2 =	slt.u32 s8, $0xFFFFF086  }
0x1c: {  	p1 =	slt.u32 s9, $0xF7A;
	s5 =	simm.s32 @!p2 $0x0  }
0x1d: {  	s5 =	simm.s32 @p1 $0x1;
	p0 =	seq.s32 s7, s2  }
0x1e: {  	s7 =	smul.u32 @!p0 $0xF7A, s2;
	p2 =	seq.s32 @!p0 s5, $0x0  }
0x1f: {  	s9 =	smul.u32 $0xF7A, s1;
	s8 =	simm.s32 @!p0 $0x1BF5;
	p2 =	por !p2, p0  }
0x20: {  	[sflag:s8] =	ssyncset.s32 @!p0 $0xFFFFF086;
	s6 =	sadd.s32 @!p0 s3, s7;
	s7 =	simm.s32 @!p0 $0x108  }
0x21: {  	s3 =	sadd.s32 s3, s9;
	s6 =	sadd.s32 @!p0 $0x88, s6;
	s7 =	simm.s32 @p2 $0x1082  }
0x22: {  	[simem:s7], [sflag:s8] =	dma.local @!p0 [hbm:s6], $0xF7A  }
0x23: {  	s9 =	sor.u32 $0xD0000000, s2;
	s6 =	simm.s32 $0x108;
	_ =	swait.ge @!p0 [sflag:s8], $0x0  }
0x24: {  	s3 =	sadd.s32 $0x88, s3;
	s6 =	simm.s32 @!p1 $0x1082;
	[sflag:s4] =	ssyncset.s32 $0xFFFFF086  }
0x25: {  	[simem:s6], [sflag:s4] =	dma.local [hbm:s3], $0xF7A  }
0x26: {  	[smem:$0x3F9D] =	sst s1;
	(tag) =	ssettag s2;
	_ =	strace s9  }
0x27: {  	s1 =	sld [smem:$0x3FAD]  }
0x28: {  	s2 =	sld [smem:$0x3FAE]  }
0x29: {  	s4 =	sld [smem:$0x3FB0]  }
0x2a: {  	p0 =	seq.s32 s5, $0x0;
	s5 =	sld [smem:$0x3FB1]  }
0x2b: {  	s6 =	sld [smem:$0x3FB2]  }
0x2c: {  	s7 =	sld [smem:$0x3FB3]  }
0x2d: {  	s3 =	simm.s32 $0x108;
	s8 =	sld [smem:$0x3FB4]  }
0x2e: {  	s3 =	simm.s32 @!p0 $0x1082;
	s9 =	sld [smem:$0x3FB5]  }
0x2f: {  	lr =	sadd.s32 s0, s3;
	s0 =	sld [smem:$0x3FAC]  }
0x30: {  	s3 =	sld [smem:$0x3FAF]  }
0x31: {  	[smem:$0x3FB8] =	sst s10  }
0x32: {  	s10 =	sld [smem:$0x3FB6];
	_ =	sdelay $0x3  }
0x33: {  	p0 =	seq.s32 s10, $0x1;
	s10 =	sld [smem:$0x3FB8];
	_ =	sdelay $0x3  }
0x34: {  	[smem:$0x3FB8] =	sst s10  }
0x35: {  	s10 =	sld [smem:$0x3FB7];
	_ =	sdelay $0x3  }
0x36: {  	p1 =	seq.s32 s10, $0x1;
	s10 =	sld [smem:$0x3FB8];
	_ =	sdelay $0x3  }
0x37: {  	[smem:$0x3FB8] =	sst s10  }
0x38: {  	s10 =	sld [smem:$0x3FB9]  }
0x39: {  	_ = 	snop;
	(pc) =	sbr.ind lr, $3  }
0x3a: {  	_ = 	snop  }
0x3b: {  	_ = 	snop  }
0x3c: {  	p2 =	seq.s32 s10, $0x1;
	s10 =	sld [smem:$0x3FB8]  }
0x3d: {  	_ =	shalt  }
0x3e: {  	_ =	shalt  }
0x3f: {  	_ =	shalt  }
0x40: {  	_ =	shalt  }
0x41: {  	_ =	shalt  }
0x42: {  	_ =	shalt  }
0x43: {  	_ =	shalt  }
0x44: {  	_ =	shalt  }
0x45: {  	_ =	shalt  }
0x46: {  	_ =	shalt  }
0x47: {  	_ =	shalt  }
0x48: {  	_ =	shalt  }
0x49: {  	_ =	shalt  }
0x4a: {  	_ =	shalt  }
0x4b: {  	_ =	shalt  }
0x4c: {  	_ =	shalt  }
0x4d: {  	_ =	shalt  }
0x4e: {  	_ =	shalt  }
0x4f: {  	_ =	shalt  }
0x50: {  	_ =	shalt  }
0x51: {  	_ =	shalt  }
0x52: {  	_ =	shalt  }
0x53: {  	_ =	shalt  }
0x54: {  	_ =	shalt  }
0x55: {  	_ =	shalt  }
0x56: {  	_ =	shalt  }
0x57: {  	_ =	shalt  }
0x58: {  	_ =	shalt  }
0x59: {  	_ =	shalt  }
0x5a: {  	_ =	shalt  }
0x5b: {  	_ =	shalt  }
0x5c: {  	_ =	shalt  }
0x5d: {  	_ =	shalt  }
0x5e: {  	_ =	shalt  }
0x5f: {  	_ =	shalt  }
0x60: {  	_ =	shalt  }
0x61: {  	_ =	shalt  }
0x62: {  	_ =	shalt  }
0x63: {  	_ =	shalt  }
0x64: {  	_ =	shalt  }
0x65: {  	_ =	shalt  }
0x66: {  	_ =	shalt  }
0x67: {  	_ =	shalt  }
0x68: {  	_ =	shalt  }
0x69: {  	_ =	shalt  }
0x6a: {  	_ =	shalt  }
0x6b: {  	_ =	shalt  }
0x6c: {  	_ =	shalt  }
0x6d: {  	_ =	shalt  }
0x6e: {  	_ =	shalt  }
0x6f: {  	_ =	shalt  }
0x70: {  	_ =	shalt  }
0x71: {  	_ =	shalt  }
0x72: {  	_ =	shalt  }
0x73: {  	_ =	shalt  }
0x74: {  	_ =	shalt  }
0x75: {  	_ =	shalt  }
0x76: {  	_ =	shalt  }
0x77: {  	_ =	shalt  }
0x78: {  	_ =	shalt  }
0x79: {  	_ =	shalt  }
0x7a: {  	_ =	shalt  }
0x7b: {  	_ =	shalt  }
0x7c: {  	_ =	shalt  }
0x7d: {  	_ =	shalt  }
0x7e: {  	_ =	shalt  }
0x7f: {  	_ =	shalt  }
0x80: {  	_ =	shalt  }
0x81: {  	_ =	shalt  }
0x82: {  	_ =	shalt  }
0x83: {  	_ =	shalt  }
0x84: {  	_ =	shalt  }
0x85: {  	_ =	shalt  }
0x86: {  	_ =	shalt  }
0x87: {  	_ =	shalt  }
.Lfunc_end0:
.L_simem_size_0:
called_computation.1_lowered:
.L_overlay_start_0:
0x88: {  	s2 =	sld [smem:$0x3FD9]  }
0x89: {  	s3 =	sld [smem:$0x3FFE];
	_ =	sdelay $0x1  }
0x8a: {  	s1 =	srdreg.scid  }
0x8b: {  	s0 =	sand.u32 $0x1, s1  }
0x8c: {  	s17 =	sshll.u32 s0, $0xA;
	s2 =	sadd.s32 s3, s2  }
0x8d: {  	s2 =	sadd.s32 s2, s17  }
0x8e: {  	[smem:$0x3FC4] =	sst s2  }
0x8f: {  	_ = 	snop  }
0x90: {  	s2 =	sld [smem:$0x3FD0];
	(tm) =	ssettm $0x1  }
0x91: {  	s18 =	sld [smem:$0x3FFB];
	_ =	sdelay $0x3  }
0x92: {  	_ =	strace s18  }
0x93: {  	s3 =	sld [smem:$0x3FFC];
	_ =	sdelay $0x3  }
0x94: {  	_ =	strace s3  }
0x95: {  	s3 =	sld [smem:$0x3FFD];
	_ =	sdelay $0x3  }
0x96: {  	_ =	strace s3  }
0x97: {  	_ =	strace $0x8FFFFFFF  }
0x98: {  	s19 =	sld [smem:$0x3FDB];
	_ =	sdelay $0x1  }
0x99: {  	s4 =	simm.s32 $_scs_section_size  }
0x9a: {  	s5 =	simm.s32 $_size__tile_overlayer_lowered;
	s6 =	simm.s32 $_tile_overlayer_lowered  }
0x9b: {  	s22 =	simm.s32 $0x1BFF;
	s21 =	sshll.u32 s6, $0x1;
	s3 =	sadd.s32 s4, s19  }
0x9c: {  	s7 =	simm.s32 $0x0;
	s20 =	sshll.u32 s5, $0x1;
	s5 =	sadd.s32 s21, s3  }
0x9d: {  	[timem:s7], [sflag:s22] =	dma.local [hbm:s5], s20  }
0x9e: {  	_ =	swait.ge [sflag:s22], s20  }
0x9f: {  	s4 =	ssub.s32 $0x0, s20;
	[sflag:s22] =	ssyncset.done $0x0  }
0xa0: {  	[sflag:s22] =	ssyncadd.s32 s4;
	_ =	sdelay $0x1  }
0xa1: {  	s23 =	simm.s32 $0x1B8B  }
0xa2: {  	_ =	swait.ge [sflag:s23], $0x1  }
0xa3: {  	[sflag:s23] =	ssyncset.done $0x0  }
0xa4: {  	s25 =	simm.s32 $0x1B8E;
	s24 =	sld [smem:$0x3FFE];
	[sflag:s23] =	ssyncadd.s32 $0xFFFFFFFF  }
0xa5: {  	s26 =	simm.s32 $execute0_lowered;
	[smem:$0x3FD2] =	sst s25  }
0xa6: {  	s5 =	sshll.u32 s26, $0x1;
	_ =	strace $0x80000046;
	[dreg:$0x1] =	wrdreg $0xFFFFFFFF  }
0xa7: {  	s28 =	simm.s32 $_size_execute0_lowered;
	s3 =	sadd.s32 s3, s5;
	[dreg:$0x0] =	wrdreg $0x0  }
0xa8: {  	s5 =	sshll.u32 s28, $0x1;
	[dreg:$0x2] =	wrdreg s3  }
0xa9: {  	[dreg:$0x3] =	wrdreg s5  }
0xaa: {  	[dreg:$0x4] =	wrdreg $0xC0  }
0xab: {  	_ =	task [dreg:s7], $0x5FFFF  }
0xac: {  	[dreg:$0x1] =	wrdreg $0xFFFFFFFF  }
0xad: {  	[dreg:$0x0] =	wrdreg $0x60  }
0xae: {  	[dreg:$0x2] =	wrdreg s24  }
0xaf: {  	[dreg:$0x3] =	wrdreg s2  }
0xb0: {  	[dreg:$0x4] =	wrdreg $0x9  }
0xb1: {  	_ =	task.clear_ibuf [dreg:s7], $0x5FFFF;
	_ =	strace $0x90000046  }
0xb2: {  	s29 =	simm.s32 $0x9;
	_ =	strace $0x80000048  }
0xb3: {  	_ =	swait.ge [sflag:s29], $0x1  }
0xb4: {  	[sflag:s29] =	ssyncadd.s32 $0xFFFFFFFF  }
0xb5: {  	_ =	strace $0x90000048  }
0xb6: {  	_ =	sfence  }
0xb7: {  	s30 =	sld [smem:$0x0];
	_ =	sdelay $0x2  }
0xb8: {  	s31 =	sshll.u32 s1, $0xD;
	s1 =	sshrl.u32 s1, $0x2  }
0xb9: {  	s3 =	sand.u32 $0x4000, s31;
	s1 =	sadd.s32 s1, s30  }
0xba: {  	s0 =	sor.u32 s3, s0;
	s1 =	sshll.u32 s1, $0x11  }
0xbb: {  	s0 =	sor.u32 s1, s0  }
0xbc: {  	s0 =	sadd.s32 $0x8F2B, s0  }
0xbd: {  	[sflag:s0] =	ssyncadd.remote.s32 $0x1  }
0xbe: {  	_ =	sfence.sel $0xFFFF  }
0xbf: {  	[dreg:$0x0] =	wrdreg $0xFFFFFFFF;
	(pc) =	sbr.abs _section_cstart, $3  }
0xc0: {  	[dreg:$0x1] =	wrdreg $0xFFFFFFFF  }
0xc1: {  	_ =	task.clear_ibuf [dreg:s7], $0x2FFFF;
	_ =	strace $0x9FFFFFFF  }
0xc2: {  	(tm) =	ssettm $0x7FFFFFFF  }
0xc3: {  	_ =	shalt  }
tec
execute0_lowered:
.L_overlay_start_1:
0x0: {  	(tag) =	ssettag $0x1  }
0x1: {  	s3 =	rddreg [dreg:$0x0];
	s1 =	srdreg.scid  }
0x2: {  	s0 =	stileid.u32;
	s9 =	rddreg [dreg:$0x1]  }
0x3: {  	s2 =	simm.s32 $0x0;
	s15 =	simm.s32 $0x1400;
	s16 =	simm.s32 $0x100  }
0x4: {  	s17 =	simm.s32 $0x180;
	s18 =	simm.s32 $0x2400;
	s19 =	simm.s32 $0x3400  }
0x5: {  	s20 =	simm.s32 $0xC;
	s21 =	simm.s32 $0xB;
	s22 =	simm.s32 $0xA  }
0x6: {  	s23 =	simm.s32 $0x9;
	s10 =	sand.u32 $0x1, s1;
	s12 =	smul.u32 $0x32000, s0  }
0x7: {  	s4 =	sshll.u32 s0, $0x1;
	[smem:$0x7FF] =	sst s2;
	s14 =	smul.u32 $0xC8000, s0  }
0x8: {  	s11 =	sadd.s32 $0x1C00, s3;
	s3 =	sadd.s32 $0x1EC600, s3;
	s13 =	smul.u32 $0x19000, s10  }
0x9: {  	s4 =	sor.u32 s10, s4;
	s5 =	ssub.s32 $0x2, s10;
	s10 =	smul.u32 $0x64000, s10  }
0xa: {  	s24 =	simm.s32 $0x0;
	_ =	strace $0x80000047;
	s4 =	smul.u32 $0x19000, s4  }
0xb: {  	s6 =	sshrl.u32 s5, $0x1;
	s9 =	sadd.s32 s14, s9;
	s14 =	simm.s32 $0x400  }
0xc: {  	s8 =	ssub.s32 s5, s6;
	s12 =	sadd.s32 s13, s12;
	s9 =	sadd.s32 s10, s9  }
.Ltmp0:
0xd: {  	s4 =	sshrl.u32 s4, $0x3;
	s8 =	smax.u32 s8, $0x1;
	(pc) =	sbr.rel .LBB2_1-.Ltmp0, $4  }
0xe: {  	s13 =	sor.u32 $0x280, s12;
	s12 =	sor.u32 $0x200, s12;
	s4 =	sadd.s32 s11, s4  }
0xf: {  	s31 =	sshrl.u32 s13, $0x3;
	s12 =	sshrl.u32 s12, $0x3;
	s13 =	simm.s32 $0x80  }
0x10: {  	s5 =	sadd.s32 $0x10, s4;
	s6 =	sadd.s32 $0x20, s4;
	s7 =	sadd.s32 $0x30, s4  }
0x11: {  	s10 =	sadd.s32 s31, s11;
	s11 =	sadd.s32 s12, s11;
	s12 =	simm.s32 $0xD  }
.LBB2_6:
0x12: {  	_ =	swait.ge [sflag:s20], $0x2000  }
0x13: {  	[sflag:s20] =	ssyncset.done $0x0  }
0x14: {  	[sflag:s20] =	ssyncadd.s32 $0xFFFFE000  }
0x15: {  	_ =	swait.ge [sflag:s21], $0x2000  }
0x16: {  	[sflag:s21] =	ssyncset.done $0x0  }
0x17: {  	s24 =	sadd.s32 $0x1, s24;
	[sflag:s21] =	ssyncadd.s32 $0xFFFFE000  }
0x18: {  	p0 =	sne.s32 s24, s8;
	_ =	swait.ge [sflag:s22], $0x2000  }
.Ltmp1:
0x19: {  	[sflag:s22] =	ssyncset.done $0x0;
	(pc) =	sbr.rel @!p0 .LBB2_7-.Ltmp1, $4  }
0x1a: {  	[sflag:s22] =	ssyncadd.s32 $0xFFFFE000  }
0x1b: {  	_ =	swait.ge [sflag:s23], $0x2000  }
0x1c: {  	[sflag:s23] =	ssyncset.done $0x0  }
0x1d: {  	[sflag:s23] =	ssyncadd.s32 $0xFFFFE000  }
.LBB2_1:
0x1e: {  	[tilespmem:s2], [sflag:$0xD] =	stream.linear.gather [hbm4b:s4+s2], $0x80, $0x38;
	[tilespmem:$0x8400] =	vst v63  }
0x1f: {  	_ =	swait.ge [sflag:s12], $0x80  }
0x20: {  	[sflag:s12] =	ssyncset.done $0x0  }
0x21: {  	[sflag:s12] =	ssyncadd.s32 $0xFFFFFF80  }
0x22: {  	[tilespmem:s13], [sflag:$0xD] =	stream.linear.gather [hbm4b:s5+s2], $0x80, $0x38;
	[tilespmem:$0x8400] =	vst v63  }
0x23: {  	_ =	swait.ge [sflag:s12], $0x80  }
0x24: {  	[sflag:s12] =	ssyncset.done $0x0  }
0x25: {  	[sflag:s12] =	ssyncadd.s32 $0xFFFFFF80  }
0x26: {  	[tilespmem:s14], [sflag:$0x1] =	stream.indirect.gather [hbm4b:s3+s13], $0x20, s2, s13, $0xb8;
	[tilespmem:$0x8400] =	vst v63  }
0x27: {  	_ = 	snop  }
0x28: {  	[tilespmem:s15], [sflag:$0x1] =	stream.indirect.gather [hbm4b:s3+s13], $0x20, s13, s13, $0xb8;
	[tilespmem:$0x8400] =	vst v63  }
0x29: {  	_ = 	snop  }
0x2a: {  	[tilespmem:s16], [sflag:$0xD] =	stream.linear.gather [hbm4b:s6+s2], $0x80, $0x38;
	[tilespmem:$0x8400] =	vst v63  }
0x2b: {  	_ =	swait.ge [sflag:s12], $0x80  }
0x2c: {  	[sflag:s12] =	ssyncset.done $0x0  }
0x2d: {  	[sflag:s12] =	ssyncadd.s32 $0xFFFFFF80  }
0x2e: {  	[tilespmem:s17], [sflag:$0xD] =	stream.linear.gather [hbm4b:s7+s2], $0x80, $0x38;
	[tilespmem:$0x8400] =	vst v63  }
0x2f: {  	_ =	swait.ge [sflag:s12], $0x80  }
.Ltmp2:
0x30: {  	[sflag:s12] =	ssyncset.done $0x0;
	(pc) =	sbr.rel .LBB2_2-.Ltmp2, $4  }
0x31: {  	s25 =	smov.u32 s11;
	[sflag:s12] =	ssyncadd.s32 $0xFFFFFF80  }
0x32: {  	[tilespmem:s18], [sflag:$0x2] =	stream.indirect.gather [hbm4b:s3+s13], $0x20, s16, s13, $0xb8;
	[tilespmem:$0x8400] =	vst v63  }
0x33: {  	s26 =	smov.u32 s10;
	s28 =	smov.u32 s9;
	s29 =	simm.s32 $0x0  }
0x34: {  	[tilespmem:s19], [sflag:$0x2] =	stream.indirect.gather [hbm4b:s3+s13], $0x20, s17, s13, $0xb8;
	[tilespmem:$0x8400] =	vst v63  }
.LBB2_4:
0x35: {  	p0 =	seq.s32 s30, $0x2  }
0x36: {  	p2 =	sgt.u32 @p0 s29, $0x18D  }
0x37: {  	p1 =	por p2, !p0  }
0x38: {  	s0 =	simm.s32 @!p1 $0x0  }
0x39: {  	[tilespmem:s0], [sflag:$0x5] =	stream.linear.gather @!p1 [hbm4b:s25+s0], $0x80, $0x38;
	[tilespmem:$0x8400] =	vst v63  }
0x3a: {  	s30 =	simm.s32 @p0 $0x3;
	s1 =	simm.s32 @!p1 $0x80  }
0x3b: {  	[tilespmem:s1], [sflag:$0x5] =	stream.linear.gather @!p1 [hbm4b:s26+s0], $0x80, $0x38;
	[tilespmem:$0x8400] =	vst v63  }
0x3c: {  	_ =	swait.ge @p0 [sflag:s30], $0x1000  }
0x3d: {  	[sflag:s30] =	ssyncset.done @p0 $0x0  }
0x3e: {  	[sflag:s30] =	ssyncadd.s32 @p0 $0xFFFFF000  }
0x3f: {  	p3 =	slt.u32 @!p1 s29, $0x2;
	_ =	swait.ge @p0 [sflag:s30], $0x1000  }
0x40: {  	s31 =	simm.s32 @p0 $0x4400;
	p2 =	por @p0 p3, p2;
	[sflag:s30] =	ssyncset.done @p0 $0x0  }
0x41: {  	p2 =	por p2, !p0;
	[sflag:s30] =	ssyncadd.s32 @p0 $0xFFFFF000;
	s30 =	simm.s32 @p0 $0x0  }
0x42: {  	[hbm4b:s28+s30] =	stream.linear.scatter @p0 [tilespmem:s31], [sflag:$0xB], $0x2000, $0x38;
	[tilespmem:$0x8400] =	vst v63  }
0x43: {  	s30 =	simm.s32 @!p2 $0x9  }
0x44: {  	_ =	swait.ge @!p2 [sflag:s30], $0x2000  }
0x45: {  	[sflag:s30] =	ssyncset.done @!p2 $0x0  }
0x46: {  	[sflag:s30] =	ssyncadd.s32 @!p2 $0xFFFFE000;
	s30 =	simm.s32 @!p1 $0x5  }
0x47: {  	_ =	swait.ge @!p1 [sflag:s30], $0x80  }
0x48: {  	[sflag:s30] =	ssyncset.done @!p1 $0x0  }
0x49: {  	[sflag:s30] =	ssyncadd.s32 @!p1 $0xFFFFFF80  }
0x4a: {  	_ =	swait.ge @!p1 [sflag:s30], $0x80  }
0x4b: {  	[sflag:s30] =	ssyncset.done @!p1 $0x0  }
0x4c: {  	[sflag:s30] =	ssyncadd.s32 @!p1 $0xFFFFFF80;
	s30 =	simm.s32 @!p1 $0x400  }
0x4d: {  	[tilespmem:s30], [sflag:$0x1] =	stream.indirect.gather @!p1 [hbm4b:s3+s1], $0x20, s0, s1, $0xb8;
	[tilespmem:$0x8400] =	vst v63  }
0x4e: {  	p2 =	sgt.u32 @!p0 s29, $0x18D;
	s0 =	simm.s32 @!p1 $0x1400  }
0x4f: {  	[tilespmem:s0], [sflag:$0x1] =	stream.indirect.gather @!p1 [hbm4b:s3+s1], $0x20, s1, s1, $0xb8;
	[tilespmem:$0x8400] =	vst v63  }
0x50: {  	p1 =	por p2, p0  }
0x51: {  	s0 =	simm.s32 @!p1 $0x0;
	s1 =	simm.s32 @!p1 $0x100  }
0x52: {  	[tilespmem:s1], [sflag:$0x6] =	stream.linear.gather @!p1 [hbm4b:s25+s0], $0x80, $0x38;
	[tilespmem:$0x8400] =	vst v63  }
0x53: {  	s30 =	simm.s32 @!p1 $0x180  }
0x54: {  	[tilespmem:s30], [sflag:$0x6] =	stream.linear.gather @!p1 [hbm4b:s26+s0], $0x80, $0x38;
	[tilespmem:$0x8400] =	vst v63  }
0x55: {  	s0 =	simm.s32 @!p0 $0x4  }
0x56: {  	_ =	swait.ge @!p0 [sflag:s0], $0x1000  }
0x57: {  	[sflag:s0] =	ssyncset.done @!p0 $0x0  }
0x58: {  	[sflag:s0] =	ssyncadd.s32 @!p0 $0xFFFFF000  }
0x59: {  	_ =	swait.ge @!p0 [sflag:s0], $0x1000  }
0x5a: {  	s31 =	simm.s32 @!p0 $0x6400;
	p3 =	slt.u32 @!p1 s29, $0x2;
	[sflag:s0] =	ssyncset.done @!p0 $0x0  }
0x5b: {  	p2 =	por @!p0 p3, p2;
	[sflag:s0] =	ssyncadd.s32 @!p0 $0xFFFFF000;
	s0 =	simm.s32 @!p0 $0x0  }
0x5c: {  	[hbm4b:s28+s0] =	stream.linear.scatter @!p0 [tilespmem:s31], [sflag:$0xC], $0x2000, $0x38;
	[tilespmem:$0x8400] =	vst v63  }
0x5d: {  	p0 =	por p2, p0  }
0x5e: {  	s0 =	simm.s32 @!p0 $0xA  }
0x5f: {  	_ =	swait.ge @!p0 [sflag:s0], $0x2000  }
0x60: {  	[sflag:s0] =	ssyncset.done @!p0 $0x0  }
0x61: {  	[sflag:s0] =	ssyncadd.s32 @!p0 $0xFFFFE000;
	s0 =	simm.s32 @!p1 $0x6  }
0x62: {  	_ =	swait.ge @!p1 [sflag:s0], $0x80  }
0x63: {  	[sflag:s0] =	ssyncset.done @!p1 $0x0  }
0x64: {  	[sflag:s0] =	ssyncadd.s32 @!p1 $0xFFFFFF80  }
0x65: {  	_ =	swait.ge @!p1 [sflag:s0], $0x80  }
0x66: {  	[sflag:s0] =	ssyncset.done @!p1 $0x0  }
0x67: {  	s31 =	simm.s32 @!p1 $0x2400;
	[sflag:s0] =	ssyncadd.s32 @!p1 $0xFFFFFF80;
	s0 =	simm.s32 @!p1 $0x80  }
0x68: {  	[tilespmem:s31], [sflag:$0x2] =	stream.indirect.gather @!p1 [hbm4b:s3+s0], $0x20, s1, s0, $0xb8;
	[tilespmem:$0x8400] =	vst v63  }
0x69: {  	s1 =	simm.s32 @!p1 $0x3400  }
0x6a: {  	[tilespmem:s1], [sflag:$0x2] =	stream.indirect.gather @!p1 [hbm4b:s3+s0], $0x20, s30, s0, $0xb8;
	[tilespmem:$0x8400] =	vst v63  }
.LBB2_5:
0x6b: {  	s29 =	sadd.s32 $0x1, s29  }
0x6c: {  	p0 =	sne.s32 s29, $0x190  }
.Ltmp3:
0x6d: {  	_ = 	snop;
	(pc) =	sbr.rel @!p0 .LBB2_6-.Ltmp3, $2  }
0x6e: {  	_ =	sdelay $0x2  }
0x6f: {  	s28 =	sadd.s32 $0x400, s28;
	s26 =	sadd.s32 $0x20, s26;
	s25 =	sadd.s32 $0x20, s25  }
.LBB2_2:
0x70: {  	s30 =	sand.u32 $0x3, s29  }
0x71: {  	p0 =	sgt.s32 s30, $0x1  }
.Ltmp4:
0x72: {  	_ = 	snop;
	(pc) =	sbr.rel @p0 .LBB2_4-.Ltmp4, $1  }
0x73: {  	_ =	sdelay $0x3  }
0x74: {  	p0 =	seq.s32 s30, $0x0  }
0x75: {  	p2 =	sgt.u32 @p0 s29, $0x18D  }
0x76: {  	p1 =	por p2, !p0  }
0x77: {  	s30 =	simm.s32 @!p1 $0x0;
	s31 =	simm.s32 @!p1 $0x200  }
0x78: {  	[tilespmem:s31], [sflag:$0x7] =	stream.linear.gather @!p1 [hbm4b:s25+s30], $0x80, $0x38;
	[tilespmem:$0x8400] =	vst v63  }
0x79: {  	s1 =	simm.s32 @!p1 $0x280  }
0x7a: {  	[tilespmem:s1], [sflag:$0x7] =	stream.linear.gather @!p1 [hbm4b:s26+s30], $0x80, $0x38;
	[tilespmem:$0x8400] =	vst v63  }
0x7b: {  	s30 =	simm.s32 @p0 $0x1  }
0x7c: {  	_ =	swait.ge @p0 [sflag:s30], $0x1000  }
0x7d: {  	[sflag:s30] =	ssyncset.done @p0 $0x0  }
0x7e: {  	[sflag:s30] =	ssyncadd.s32 @p0 $0xFFFFF000  }
0x7f: {  	p3 =	slt.u32 @!p1 s29, $0x2;
	_ =	swait.ge @p0 [sflag:s30], $0x1000  }
0x80: {  	s0 =	simm.s32 @p0 $0x400;
	p2 =	por @p0 p3, p2;
	[sflag:s30] =	ssyncset.done @p0 $0x0  }
0x81: {  	p2 =	por p2, !p0;
	[sflag:s30] =	ssyncadd.s32 @p0 $0xFFFFF000;
	s30 =	simm.s32 @p0 $0x0  }
0x82: {  	[hbm4b:s28+s30] =	stream.linear.scatter @p0 [tilespmem:s0], [sflag:$0x9], $0x2000, $0x38;
	[tilespmem:$0x8400] =	vst v63  }
0x83: {  	s0 =	simm.s32 @!p2 $0xB  }
0x84: {  	_ =	swait.ge @!p2 [sflag:s0], $0x2000  }
0x85: {  	[sflag:s0] =	ssyncset.done @!p2 $0x0  }
0x86: {  	[sflag:s0] =	ssyncadd.s32 @!p2 $0xFFFFE000;
	s0 =	simm.s32 @!p1 $0x7  }
0x87: {  	_ =	swait.ge @!p1 [sflag:s0], $0x80  }
0x88: {  	[sflag:s0] =	ssyncset.done @!p1 $0x0  }
0x89: {  	[sflag:s0] =	ssyncadd.s32 @!p1 $0xFFFFFF80  }
0x8a: {  	_ =	swait.ge @!p1 [sflag:s0], $0x80  }
0x8b: {  	[sflag:s0] =	ssyncset.done @!p1 $0x0  }
0x8c: {  	s30 =	simm.s32 @!p1 $0x4400;
	[sflag:s0] =	ssyncadd.s32 @!p1 $0xFFFFFF80;
	s0 =	simm.s32 @!p1 $0x80  }
0x8d: {  	[tilespmem:s30], [sflag:$0x3] =	stream.indirect.gather @!p1 [hbm4b:s3+s0], $0x20, s31, s0, $0xb8;
	[tilespmem:$0x8400] =	vst v63  }
0x8e: {  	p2 =	sgt.u32 @!p0 s29, $0x18D;
	s30 =	simm.s32 @!p1 $0x5400  }
0x8f: {  	[tilespmem:s30], [sflag:$0x3] =	stream.indirect.gather @!p1 [hbm4b:s3+s0], $0x20, s1, s0, $0xb8;
	[tilespmem:$0x8400] =	vst v63  }
0x90: {  	p1 =	por p2, p0  }
0x91: {  	s0 =	simm.s32 @!p1 $0x0;
	s1 =	simm.s32 @!p1 $0x300  }
0x92: {  	[tilespmem:s1], [sflag:$0x8] =	stream.linear.gather @!p1 [hbm4b:s25+s0], $0x80, $0x38;
	[tilespmem:$0x8400] =	vst v63  }
0x93: {  	s30 =	simm.s32 @!p1 $0x380  }
0x94: {  	[tilespmem:s30], [sflag:$0x8] =	stream.linear.gather @!p1 [hbm4b:s26+s0], $0x80, $0x38;
	[tilespmem:$0x8400] =	vst v63  }
0x95: {  	s0 =	simm.s32 @!p0 $0x2  }
0x96: {  	_ =	swait.ge @!p0 [sflag:s0], $0x1000  }
0x97: {  	[sflag:s0] =	ssyncset.done @!p0 $0x0  }
0x98: {  	[sflag:s0] =	ssyncadd.s32 @!p0 $0xFFFFF000  }
0x99: {  	_ =	swait.ge @!p0 [sflag:s0], $0x1000  }
0x9a: {  	s31 =	simm.s32 @!p0 $0x2400;
	p3 =	slt.u32 @!p1 s29, $0x2;
	[sflag:s0] =	ssyncset.done @!p0 $0x0  }
0x9b: {  	p2 =	por @!p0 p3, p2;
	[sflag:s0] =	ssyncadd.s32 @!p0 $0xFFFFF000;
	s0 =	simm.s32 @!p0 $0x0  }
0x9c: {  	[hbm4b:s28+s0] =	stream.linear.scatter @!p0 [tilespmem:s31], [sflag:$0xA], $0x2000, $0x38;
	[tilespmem:$0x8400] =	vst v63  }
0x9d: {  	p0 =	por p2, p0  }
0x9e: {  	s0 =	simm.s32 @!p0 $0xC  }
0x9f: {  	_ =	swait.ge @!p0 [sflag:s0], $0x2000  }
0xa0: {  	[sflag:s0] =	ssyncset.done @!p0 $0x0  }
0xa1: {  	[sflag:s0] =	ssyncadd.s32 @!p0 $0xFFFFE000;
	s0 =	simm.s32 @!p1 $0x8  }
0xa2: {  	_ =	swait.ge @!p1 [sflag:s0], $0x80  }
0xa3: {  	[sflag:s0] =	ssyncset.done @!p1 $0x0  }
0xa4: {  	[sflag:s0] =	ssyncadd.s32 @!p1 $0xFFFFFF80  }
0xa5: {  	_ =	swait.ge @!p1 [sflag:s0], $0x80  }
.Ltmp5:
0xa6: {  	[sflag:s0] =	ssyncset.done @!p1 $0x0;
	(pc) =	sbr.rel .LBB2_5-.Ltmp5, $4  }
0xa7: {  	s31 =	simm.s32 @!p1 $0x6400;
	[sflag:s0] =	ssyncadd.s32 @!p1 $0xFFFFFF80;
	s0 =	simm.s32 @!p1 $0x80  }
0xa8: {  	[tilespmem:s31], [sflag:$0x4] =	stream.indirect.gather @!p1 [hbm4b:s3+s0], $0x20, s1, s0, $0xb8;
	[tilespmem:$0x8400] =	vst v63  }
0xa9: {  	s1 =	simm.s32 @!p1 $0x7400  }
0xaa: {  	[tilespmem:s1], [sflag:$0x4] =	stream.indirect.gather @!p1 [hbm4b:s3+s0], $0x20, s30, s0, $0xb8;
	[tilespmem:$0x8400] =	vst v63  }
.LBB2_7:
0xab: {  	_ =	sfence.sel $0x180000  }
0xac: {  	[bflag:$0x0] =	sbarrier.arrive $0xFFFF  }
0xad: {  	_ =	strace $0x90000047  }
0xae: {  	s0 =	stileid.u32;
	[bflag:$0x2] =	sbarrier.arrive $0xFFFF  }
0xaf: {  	p0 =	sne.s32 s0, $0x0;
	s0 =	rddreg [dreg:$0x2]  }
0xb0: {  	s0 =	sadd.s32 @!p0 $0x100000, s0  }
0xb1: {  	[sflag:s0] =	ssyncadd.tile.s32 @!p0 $0x1;
	_ =	shalt  }
.Lfunc_end2:
_tile_overlayer_lowered:
.L_overlay_start_2:
0xb2: {  	(tag) =	ssettag $0x2  }
0xb3: {  	s0 =	rddreg [dreg:$0x0];
	s2 =	stileid.u32  }
0xb4: {  	s1 =	rddreg [dreg:$0x1];
	p0 =	sne.s32 s2, $0x0  }
0xb5: {  	s3 =	rddreg [dreg:$0x2];
	[bflag:$0x3] =	sbarrier.arrive $0xFFFF;
	s2 =	simm.s32 @!p0 $0x1C0D  }
0xb6: {  	[timem:s3], [sflag:s2] =	dma.local @!p0 [hbm:s0], s1  }
0xb7: {  	s0 =	simm.s32 @!p0 $0xD  }
0xb8: {  	_ =	swait.ge @!p0 [sflag:s0], s1  }
0xb9: {  	s1 =	ssub.s32 @!p0 $0x0, s1;
	[sflag:s0] =	ssyncset.done @!p0 $0x0  }
0xba: {  	[sflag:s0] =	ssyncadd.s32 @!p0 s1  }
0xbb: {  	[bflag:$0x3] =	sbarrier.arrive $0xFFFF  }
0xbc: {  	_ =	shalt  }

// kernel: sparse-core-data-format-call.cloned.1.call-start
scs
called_computation_lowered:
.L_overlay_start_0:
0x0: {  	s2 =	sld [smem:$0x3FD9]  }
0x1: {  	s3 =	sld [smem:$0x3FFE];
	_ =	sdelay $0x1  }
0x2: {  	s1 =	srdreg.scid  }
0x3: {  	s0 =	sand.u32 $0x1, s1  }
0x4: {  	s18 =	sshll.u32 s0, $0xA;
	s2 =	sadd.s32 s3, s2  }
0x5: {  	s2 =	sadd.s32 s2, s18  }
0x6: {  	[smem:$0x3FC4] =	sst s2  }
0x7: {  	_ = 	snop  }
0x8: {  	s2 =	sld [smem:$0x3FD0];
	(tm) =	ssettm $0x1  }
0x9: {  	s19 =	sld [smem:$0x3FFB];
	_ =	sdelay $0x3  }
0xa: {  	_ =	strace s19  }
0xb: {  	s3 =	sld [smem:$0x3FFC];
	_ =	sdelay $0x3  }
0xc: {  	_ =	strace s3  }
0xd: {  	s3 =	sld [smem:$0x3FFD];
	_ =	sdelay $0x3  }
0xe: {  	_ =	strace s3  }
0xf: {  	_ =	strace $0x8FFFFFFF  }
0x10: {  	s20 =	sld [smem:$0x3FDB];
	_ =	sdelay $0x1  }
0x11: {  	s4 =	simm.s32 $_scs_section_size  }
0x12: {  	s5 =	simm.s32 $_size__tile_overlayer_lowered;
	s6 =	simm.s32 $_tile_overlayer_lowered  }
0x13: {  	s23 =	simm.s32 $0x1BFF;
	s22 =	sshll.u32 s6, $0x1;
	s3 =	sadd.s32 s4, s20  }
0x14: {  	s7 =	simm.s32 $0x0;
	s21 =	sshll.u32 s5, $0x1;
	s5 =	sadd.s32 s22, s3  }
0x15: {  	[timem:s7], [sflag:s23] =	dma.local [hbm:s5], s21  }
0x16: {  	_ =	swait.ge [sflag:s23], s21  }
0x17: {  	s4 =	ssub.s32 $0x0, s21;
	[sflag:s23] =	ssyncset.done $0x0  }
0x18: {  	[sflag:s23] =	ssyncadd.s32 s4;
	_ =	sdelay $0x1  }
0x19: {  	s24 =	simm.s32 $0x1B8B  }
0x1a: {  	_ =	swait.ge [sflag:s24], $0x1  }
0x1b: {  	[sflag:s24] =	ssyncset.done $0x0  }
0x1c: {  	s26 =	simm.s32 $0x1B8E;
	s25 =	sld [smem:$0x3FFE];
	[sflag:s24] =	ssyncadd.s32 $0xFFFFFFFF  }
0x1d: {  	s27 =	simm.s32 $execute0_lowered;
	[smem:$0x3FD2] =	sst s26  }
0x1e: {  	s5 =	sshll.u32 s27, $0x1;
	_ =	strace $0x80000049;
	[dreg:$0x1] =	wrdreg $0xFFFFFFFF  }
0x1f: {  	s28 =	simm.s32 $_size_execute0_lowered;
	s3 =	sadd.s32 s3, s5;
	[dreg:$0x0] =	wrdreg $0x0  }
0x20: {  	s5 =	sshll.u32 s28, $0x1;
	[dreg:$0x2] =	wrdreg s3  }
0x21: {  	[dreg:$0x3] =	wrdreg s5  }
0x22: {  	[dreg:$0x4] =	wrdreg $0xC0  }
0x23: {  	_ =	task [dreg:s7], $0x5FFFF  }
0x24: {  	[dreg:$0x1] =	wrdreg $0xFFFFFFFF  }
0x25: {  	[dreg:$0x0] =	wrdreg $0x60  }
0x26: {  	[dreg:$0x2] =	wrdreg s25  }
0x27: {  	[dreg:$0x3] =	wrdreg s2  }
0x28: {  	[dreg:$0x4] =	wrdreg $0x9  }
0x29: {  	_ =	task.clear_ibuf [dreg:s7], $0x5FFFF;
	_ =	strace $0x90000049  }
0x2a: {  	s29 =	simm.s32 $0x9;
	_ =	strace $0x8000004B  }
0x2b: {  	_ =	swait.ge [sflag:s29], $0x1  }
0x2c: {  	[sflag:s29] =	ssyncadd.s32 $0xFFFFFFFF  }
0x2d: {  	_ =	strace $0x9000004B  }
0x2e: {  	_ =	sfence  }
0x2f: {  	s30 =	sld [smem:$0x0];
	_ =	sdelay $0x2  }
0x30: {  	s31 =	sshll.u32 s1, $0xD;
	s1 =	sshrl.u32 s1, $0x2  }
0x31: {  	s3 =	sand.u32 $0x4000, s31;
	s1 =	sadd.s32 s1, s30  }
0x32: {  	s0 =	sor.u32 s3, s0;
	s1 =	sshll.u32 s1, $0x11  }
0x33: {  	s0 =	sor.u32 s1, s0  }
0x34: {  	s0 =	sadd.s32 $0x8F2B, s0  }
0x35: {  	[sflag:s0] =	ssyncadd.remote.s32 $0x1  }
0x36: {  	_ =	sfence.sel $0xFFFF  }
0x37: {  	[dreg:$0x0] =	wrdreg $0xFFFFFFFF;
	(pc) =	sbr.abs _section_cstart, $3  }
0x38: {  	[dreg:$0x1] =	wrdreg $0xFFFFFFFF  }
0x39: {  	_ =	task.clear_ibuf [dreg:s7], $0x2FFFF;
	_ =	strace $0x9FFFFFFF  }
0x3a: {  	(tm) =	ssettm $0x7FFFFFFF  }
0x3b: {  	_ =	shalt  }
tec
execute0_lowered:
.L_overlay_start_1:
0x0: {  	(tag) =	ssettag $0x1  }
0x1: {  	s0 =	srdreg.scid  }
0x2: {  	s1 =	sshll.u32 s0, $0x4  }
0x3: {  	s0 =	stileid.u32;
	s1 =	sand.u32 $0x10, s1  }
0x4: {  	s1 =	sor.u32 s0, s1  }
0x5: {  	s6 =	rddreg [dreg:$0x0];
	s4 =	simm.s32 $0x1;
	s2 =	sshll.u32 s1, $0x7  }
0x6: {  	s7 =	simm.s32 $0x2;
	s12 =	simm.s32 $0x0;
	s1 =	ssub.s32 $0x4000, s2  }
0x7: {  	s8 =	simm.s32 $0x20000;
	s13 =	simm.s32 $0x0;
	s3 =	sand.u32 $0xF80, s1  }
0x8: {  	s9 =	simm.s32 $0x0;
	s5 =	sshrl.u32 s1, $0xC;
	p0 =	sne.s32 s3, $0x0  }
.Ltmp0:
0x9: {  	s1 =	rddreg [dreg:$0x2];
	s4 =	simm.s32 @!p0 $0x0;
	(pc) =	sbr.rel .LBB1_1-.Ltmp0, $4  }
0xa: {  	s11 =	simm.s32 $0x0;
	s3 =	rddreg [dreg:$0x1];
	s5 =	sadd.s32 s4, s5  }
0xb: {  	_ =	strace $0x8000004A;
	s4 =	simm.s32 $0x1;
	s5 =	smul.u32 $0xC8, s5  }
0xc: {  	s6 =	sadd.s32 $0x1C00, s6;
	s10 =	smov.u32 s2;
	[sflag:s4] =	ssyncpa.u1 $0x0  }
0xd: {  	p0 =	por $0x0, $0x0;
	[sflag:s7] =	ssyncpa.u1 $0x0;
	s7 =	sor.u32 $0x1, s5  }
.LBB1_4:
0xe: {  	s16 =	sshll.u32 s13, $0x3;
	s17 =	sand.u32 $0x78, s13  }
0xf: {  	s30 =	sand.u32 $0xF800, s13;
	s12 =	sshll.u32 s12, $0x10;
	s16 =	sand.u32 $0x3C00, s16  }
0x10: {  	s31 =	sand.u32 $0x7, s13;
	s16 =	sor.u32 s17, s16;
	s17 =	sadd.s32 s3, s30  }
0x11: {  	s13 =	sshll.u32 s31, $0x12;
	s16 =	sshrl.u32 s16, $0x3;
	s12 =	sadd.s32 s12, s17  }
0x12: {  	[tilespmem:s15+$0x0 ss:$0x81] =	vst.msk $0xffff, v0;
	s13 =	sor.u32 $0x400, s13;
	s12 =	sadd.s32 s16, s12  }
0x13: {  	[hbm4b:s12+s13] =	stream.strided.scatter [tilespmem:s14], [sflag:$0x2], $0x1000, s8, s13, $0x20;
	[tilespmem:$0x4040] =	vst v63  }
.LBB1_5:
0x14: {  	s14 =	sadd.s32 $0x1, s9  }
0x15: {  	s12 =	sadd.s32 $0x1000, s10;
	s16 =	smov.u32 s10;
	p2 =	sgt.s32 s14, $0xC7  }
0x16: {  	s16 =	smov.u32 @p2 s12  }
0x17: {  	s14 =	simm.s32 @p2 $0x0;
	p2 =	sgt.s32 s16, $0x3FFF  }
0x18: {  	s16 =	smov.u32 @p2 s2;
	p2 =	sne.s32 s11, s7  }
.Ltmp1:
0x19: {  	p1 =	slt.u32 s11, $0x2;
	(pc) =	sbr.rel @!p2 .LBB1_6-.Ltmp1, $4  }
0x1a: {  	s15 =	simm.s32 @!p1 $0x2  }
0x1b: {  	s13 =	smov.u32 s10;
	p0 =	por !p0, !p0;
	_ =	swait.ge @!p1 [sflag:s15], $0x1000  }
0x1c: {  	s12 =	smov.u32 s9;
	[sflag:s15] =	ssyncset.done @!p1 $0x0;
	s9 =	smov.u32 s14  }
0x1d: {  	s11 =	sadd.s32 $0x1, s11;
	[sflag:s15] =	ssyncadd.s32 @!p1 $0xFFFFF000;
	s10 =	smov.u32 s16  }
.LBB1_1:
0x1e: {  	p1 =	sge.u32 s11, s5  }
0x1f: {  	s14 =	sand.u32 @!p1 $0x1FFFFFF, s9  }
0x20: {  	s15 =	smulhi.u32 @!p1 $0x147AE15, s14;
	_ =	sdelay $0x1  }
0x21: {  	s15 =	smul.u32 @!p1 $0xC8, s15  }
0x22: {  	s16 =	sxor.u32 @!p1 $0xFFFFFFFF, s11;
	s17 =	smul.u32 @!p1 $0xC80, s10  }
0x23: {  	s31 =	sadd.s32 $0xFFFFFFFF, s11;
	s16 =	sshll.u32 @!p1 s16, $0xC;
	s14 =	ssub.s32 @!p1 s14, s15  }
0x24: {  	s15 =	sand.u32 @!p1 $0x1000, s16;
	s16 =	sadd.s32 @!p1 s6, s17;
	s14 =	sshll.u32 @!p1 s14, $0x4  }
0x25: {  	s17 =	simm.s32 @!p1 $0x6400;
	s14 =	sadd.s32 @!p1 s14, s16;
	s16 =	simm.s32 @!p1 $0x20  }
0x26: {  	[tilespmem:s15], [sflag:$0x1] =	stream.strided.gather @!p1 [hbm4b:s14+s16], $0x1000, s17, s16, $0x38;
	[tilespmem:$0x4040] =	vst v63  }
0x27: {  	p1 =	sge.u32 s31, s5  }
.Ltmp2:
0x28: {  	_ = 	snop;
	(pc) =	sbr.rel @p1 .LBB1_5-.Ltmp2, $1  }
0x29: {  	_ =	sdelay $0x3  }
0x2a: {  	s14 =	simm.s32 $0x1  }
0x2b: {  	_ =	swait.ge [sflag:s4], $0x1000;
	s14 =	simm.s32 @!p0 $0x0  }
0x2c: {  	[sflag:s4] =	ssyncset.done $0x0;
	s15 =	sshll.u32 s14, $0xC  }
0x2d: {  	[sflag:s4] =	ssyncadd.s32 $0xFFFFF000;
	s18 =	sor.u32 $0x10, s15  }
0x2e: {  	s14 =	smul.u32 $0x4080, s14;
	v1 =	vld [tilespmem:s18+$0x0]  }
0x2f: {  	s30 =	sand.u32 $0x1, s11;
	v0 =	vld [tilespmem:s18+$0xFFFFFFF0]  }
0x30: {  	s15 =	smul.u32 $0x4080, s30;
	s14 =	sshrl.u32 s14, $0x2  }
0x31: {  	s16 =	sor.u32 $0x2000, s14  }
0x32: {  	s31 =	sshrl.u32 s15, $0x2;
	s15 =	sadd.s32 $0x0, s16  }
0x33: {  	s17 =	simm.s32 $0x4;
	s18 =	sadd.s32 $0x20, s18;
	s14 =	sor.u32 $0x2000, s31;
	[tilespmem:s15+$0x810 ss:$0x81] =	vst.msk $0xffff, v1  }
.LBB1_3:
0x34: {  	v1 =	vld [tilespmem:s18+$0x0];
	p1 =	sne.s32 s17, $0x1FC;
	[tilespmem:s15+$0x0 ss:$0x81] =	vst.msk $0xffff, v0;
	s15 =	smov.u32 s17;
	s17 =	sadd.s32 $0x4, s17  }
.Ltmp3:
0x35: {  	v0 =	vld [tilespmem:s18+$0xFFFFFFF0];
	(pc) =	sbr.rel @p1 .LBB1_3-.Ltmp3, $4  }
0x36: {  	_ = 	snop  }
0x37: {  	s15 =	sshra.s32 s15, $0x2  }
0x38: {  	s15 =	sadd.s32 s15, s16  }
0x39: {  	s18 =	sadd.s32 $0x20, s18;
	[tilespmem:s15+$0x810 ss:$0x81] =	vst.msk $0xffff, v1  }
.Ltmp4:
0x3a: {  	_ = 	snop;
	(pc) =	sbr.rel .LBB1_4-.Ltmp4, $1  }
0x3b: {  	_ =	sdelay $0x3  }
.LBB1_6:
0x3c: {  	_ =	sfence.sel $0x180000  }
0x3d: {  	s2 =	simm.s32 $0x1;
	[bflag:$0x0] =	sbarrier.arrive $0xFFFF  }
0x3e: {  	s31 =	simm.s32 $0x2;
	[sflag:s2] =	ssyncpa.u1 $0x1  }
0x3f: {  	[sflag:s31] =	ssyncpa.u1 $0x1  }
0x40: {  	p0 =	sne.s32 s0, $0x0;
	_ =	strace $0x9000004A  }
0x41: {  	s0 =	sadd.s32 @!p0 $0x100000, s1;
	[bflag:$0x2] =	sbarrier.arrive $0xFFFF  }
0x42: {  	[sflag:s0] =	ssyncadd.tile.s32 @!p0 $0x1;
	_ =	shalt  }
.Lfunc_end1:
_tile_overlayer_lowered:
.L_overlay_start_2:
0x43: {  	(tag) =	ssettag $0x2  }
0x44: {  	s0 =	rddreg [dreg:$0x0];
	s2 =	stileid.u32  }
0x45: {  	s1 =	rddreg [dreg:$0x1];
	p0 =	sne.s32 s2, $0x0  }
0x46: {  	s3 =	rddreg [dreg:$0x2];
	[bflag:$0x3] =	sbarrier.arrive $0xFFFF;
	s2 =	simm.s32 @!p0 $0x1C01  }
0x47: {  	[timem:s3], [sflag:s2] =	dma.local @!p0 [hbm:s0], s1  }
0x48: {  	s0 =	simm.s32 @!p0 $0x1  }
0x49: {  	_ =	swait.ge @!p0 [sflag:s0], s1  }
0x4a: {  	s1 =	ssub.s32 @!p0 $0x0, s1;
	[sflag:s0] =	ssyncset.done @!p0 $0x0  }
0x4b: {  	[sflag:s0] =	ssyncadd.s32 @!p0 s1  }
0x4c: {  	[bflag:$0x3] =	sbarrier.arrive $0xFFFF  }
0x4d: {  	_ =	shalt  }

</sc_bundles>
